<compile_context>
chip_gen: v7x
topology: tpu7x:2x2x1
jax: 0.10.2.dev20260603
libtpu: 0.0.44.dev20260713+nightly
codegen_flags: <defaults>
</compile_context>

<pallas_src>
import jax
import jax.numpy as jnp
from jax import lax
from jax.experimental import pallas as pl
from jax.experimental.pallas import tpu as pltpu
from jax.experimental.pallas import tpu_sc as plsc

N_NODES = 10000
D = 128
N_EDGES = 320000

NC = 2
NS = 16
NW = NC * NS

CHUNK = 128
K = 80
KB = K // 8
E_PAD = NW * K * CHUNK
N_PAD = 10112
ROWS_PER_TILE = N_PAD // NS


def _fill_rows(rows_v, val):
    @pl.loop(0, CHUNK)
    def _fill(i):
        v16 = jnp.zeros((16,), jnp.float32) + val
        for col in range(D // 16):
            rows_v[i, pl.ds(col * 16, 16)] = v16


def _zero_acc(rows_v, acc_s, base):
    for k in range(ROWS_PER_TILE // CHUNK):
        pltpu.sync_copy(rows_v, acc_s.at[pl.ds(base + k * CHUNK, CHUNK)])
    rem = ROWS_PER_TILE % CHUNK
    if rem:
        off = base + (ROWS_PER_TILE // CHUNK) * CHUNK
        pltpu.sync_copy(rows_v.at[pl.ds(0, rem)], acc_s.at[pl.ds(off, rem)])


def _copy_out(acc_s, out, c, base):
    for k in range(ROWS_PER_TILE // CHUNK):
        pltpu.sync_copy(acc_s.at[pl.ds(base + k * CHUNK, CHUNK)],
                        out.at[c, pl.ds(base + k * CHUNK, CHUNK)])
    rem = ROWS_PER_TILE % CHUNK
    if rem:
        off = base + (ROWS_PER_TILE // CHUNK) * CHUNK
        pltpu.sync_copy(acc_s.at[pl.ds(off, rem)],
                        out.at[c, pl.ds(off, rem)])


def _sc_body(x_hbm, idx_hbm, acc_out, deg_out, idx_b, rows_v, rows_w,
             acc_s, gsem, gsem2):
    c = lax.axis_index("c")
    s = lax.axis_index("s")
    wid = c * NS + s
    base = s * ROWS_PER_TILE

    _fill_rows(rows_v, 0.0)
    _zero_acc(rows_v, acc_s, base)
    plsc.subcore_barrier()

    @pl.loop(0, KB)
    def _edges(jb):
        pltpu.sync_copy(idx_hbm.at[wid, jb], idx_b)
        bufs = (rows_v, rows_w)
        sems = (gsem, gsem2)
        cps = [None] * 8
        cps[0] = pltpu.async_copy(x_hbm.at[idx_b.at[0, 0]], bufs[0], sems[0])
        for b in range(8):
            if b < 7:
                cps[b + 1] = pltpu.async_copy(
                    x_hbm.at[idx_b.at[0, b + 1]],
                    bufs[(b + 1) % 2], sems[(b + 1) % 2])
            cps[b].wait()
            pltpu.sync_copy(bufs[b % 2], acc_s.at[idx_b.at[1, b]], add=True)

    plsc.subcore_barrier()
    _copy_out(acc_s, acc_out, c, base)
    plsc.subcore_barrier()

    _fill_rows(rows_v, 0.0)
    _zero_acc(rows_v, acc_s, base)
    _fill_rows(rows_v, 1.0)
    plsc.subcore_barrier()

    @pl.loop(0, KB)
    def _deg(jb):
        pltpu.sync_copy(idx_hbm.at[wid, jb], idx_b)
        for b in range(8):
            pltpu.sync_copy(rows_v, acc_s.at[idx_b.at[1, b]], add=True)

    plsc.subcore_barrier()
    _copy_out(acc_s, deg_out, c, base)


def _sc_aggregate(x, idx_r):
    mesh = plsc.VectorSubcoreMesh(core_axis_name="c", subcore_axis_name="s")
    f = pl.kernel(
        _sc_body,
        out_type=(
            jax.ShapeDtypeStruct((NC, N_PAD, D), jnp.float32),
            jax.ShapeDtypeStruct((NC, N_PAD, D), jnp.float32),
        ),
        mesh=mesh,
        scratch_types=[
            pltpu.VMEM((2, 8, CHUNK), jnp.int32),
            pltpu.VMEM((CHUNK, D), jnp.float32),
            pltpu.VMEM((CHUNK, D), jnp.float32),
            pltpu.VMEM_SHARED((N_PAD, D), jnp.float32),
            pltpu.SemaphoreType.DMA,
            pltpu.SemaphoreType.DMA,
        ],
    )
    return f(x, idx_r)


def _tc_body(acc_ref, deg_ref, x_ref, wl_ref, wr_ref, b_ref, out_ref):
    acc = acc_ref[0] + acc_ref[1]
    deg = deg_ref[0, :, 0:1] + deg_ref[1, :, 0:1]
    mean = acc / jnp.maximum(deg, 1.0)
    dn = (((1,), (1,)), ((), ()))
    out = lax.dot_general(mean, wl_ref[...], dn,
                          preferred_element_type=jnp.float32)
    out = out + lax.dot_general(x_ref[...], wr_ref[...], dn,
                                preferred_element_type=jnp.float32)
    out_ref[...] = jnp.maximum(out + b_ref[...], 0.0)


def _tc_combine(acc_p, deg_p, x, W_l, W_r, b_l):
    B = 1000
    grid = (N_NODES // B,)
    return pl.pallas_call(
        _tc_body,
        grid=grid,
        in_specs=[
            pl.BlockSpec((NC, B, D), lambda i: (0, i, 0)),
            pl.BlockSpec((NC, B, D), lambda i: (0, i, 0)),
            pl.BlockSpec((B, D), lambda i: (i, 0)),
            pl.BlockSpec((D, D), lambda i: (0, 0)),
            pl.BlockSpec((D, D), lambda i: (0, 0)),
            pl.BlockSpec((1, D), lambda i: (0, 0)),
        ],
        out_specs=pl.BlockSpec((B, D), lambda i: (i, 0)),
        out_shape=jax.ShapeDtypeStruct((N_NODES, D), jnp.float32),
    )(acc_p, deg_p, x, W_l, W_r, b_l)


@jax.jit
def kernel(x, edge_index, W_l, W_r, b_l):
    src = edge_index[0].astype(jnp.int32)
    dst = edge_index[1].astype(jnp.int32)
    pad = E_PAD - N_EDGES
    src_r = jnp.concatenate(
        [src, jnp.zeros((pad,), jnp.int32)]).reshape(NW, KB, 1, 8, CHUNK)
    dst_r = jnp.concatenate(
        [dst, jnp.full((pad,), N_NODES, jnp.int32)]).reshape(NW, KB, 1, 8, CHUNK)
    idx_r = jnp.concatenate([src_r, dst_r], axis=2)
    acc_p, deg_p = _sc_aggregate(x, idx_r)
    return _tc_combine(acc_p, deg_p, x, W_l, W_r, b_l.reshape(1, D))

# --- scband reference (transcript-rebuilt; emitter-appended) ---
"""Pipeline reference for scband-gnnencoder-78804059947264 (READ-ONLY COPY).

The authoritative reference and input builder live on the scoring server;
editing this copy changes nothing except your own understanding.
"""

import jax, jax.numpy as jnp
import numpy as np

N_NODES = 10000
D_IN = 128
D_HID = 128
N_EDGES = 320000

def setup_inputs(seed: int = 0) -> dict:
    key = jax.random.key(seed)
    k1, k2, k3, k4, k5 = jax.random.split(key, 5)
    x = jax.random.normal(k1, (N_NODES, D_IN), dtype=jnp.float32)
    edge_index = jax.random.randint(k2, (2, N_EDGES), 0, N_NODES, dtype=jnp.int64)
    # SAGEConv params: lin_l applied to aggregated neighbors, lin_r to root nodes
    scale = 1.0 / np.sqrt(D_IN)
    W_l = jax.random.uniform(k3, (D_HID, D_IN), dtype=jnp.float32, minval=-scale, maxval=scale)
    W_r = jax.random.uniform(k4, (D_HID, D_IN), dtype=jnp.float32, minval=-scale, maxval=scale)
    b_l = jax.random.uniform(k5, (D_HID,), dtype=jnp.float32, minval=-scale, maxval=scale)
    return {"x": x, "edge_index": edge_index, "W_l": W_l, "W_r": W_r, "b_l": b_l}

def reference(x, edge_index, W_l, W_r, b_l):
    # SAGEConv with mean aggregation (PyG default):
    # out = lin_l(mean_{j in N(i)} x_j) + lin_r(x_i)
    src = edge_index[0]
    dst = edge_index[1]
    msgs = jnp.take(x, src, axis=0)  # gather source node features
    agg_sum = jax.ops.segment_sum(msgs, dst, num_segments=N_NODES)
    deg = jax.ops.segment_sum(jnp.ones((msgs.shape[0],), dtype=x.dtype), dst, num_segments=N_NODES)
    agg_mean = agg_sum / jnp.clip(deg, 1.0, None)[:, None]
    out = agg_mean @ W_l.T + b_l + x @ W_r.T
    return jax.nn.relu(out)

if __name__ == "__main__":
    import jax
    _d = setup_inputs()
    print(jax.jit(kernel)(*tuple(_d.values())))

</pallas_src>

<mosaic_0001>
#map = affine_map<(d0, d1) -> (0, 0)>
#map1 = affine_map<(d0, d1) -> (0, 0, 0, 0, 0)>
#map2 = affine_map<(d0, d1) -> (0, 0, 0)>
module attributes {stable_mosaic.version = 14 : i64} {
  func.func @_sc_body(%arg0: i32, %arg1: i32, %arg2: memref<10000x128xf32, #tpu.memory_space<hbm>>, %arg3: memref<32x10x2x8x128xi32, #tpu.memory_space<hbm>>, %arg4: memref<2x10112x128xf32, #tpu.memory_space<hbm>>, %arg5: memref<2x10112x128xf32, #tpu.memory_space<hbm>>, %arg6: memref<2x8x128xi32, #tpu.memory_space<vmem>>, %arg7: memref<128x128xf32, #tpu.memory_space<vmem>>, %arg8: memref<128x128xf32, #tpu.memory_space<vmem>>, %arg9: memref<10112x128xf32, #tpu.memory_space<vmem_shared>>, %arg10: memref<!tpu.dma_semaphore, #tpu.memory_space<semaphore_mem>>, %arg11: memref<!tpu.dma_semaphore, #tpu.memory_space<semaphore_mem>>) attributes {dimension_semantics = [#tpu.dimension_semantics<core_parallel>, #tpu.dimension_semantics<subcore_parallel>], iteration_bounds = array<i64: 2, 16>, scalar_prefetch = 0 : i64, scratch_operands = 6 : i64, tpu.core_type = #tpu.core_type<sc_vector_subcore>, window_params = [{transform_indices = #map}, {transform_indices = #map1}, {transform_indices = #map2}, {transform_indices = #map2}]} {
    %mul3A = arith.constant 16 : i32
    %mul3A_0 = arith.muli %arg0, %mul3A : i32
    %add3A = arith.addi %mul3A_0, %arg1 : i32
    %mul3A_1 = arith.constant 632 : i32
    %mul3A_2 = arith.muli %arg1, %mul3A_1 : i32
    %scan3A = arith.constant 0 : i32
    %scan3A_3 = arith.constant 128 : i32
    %scan3A_4 = arith.addi %scan3A, %scan3A_3 : i32
    %scan3A_5 = arith.constant 1 : i32
    scf.for %scan3A_87 = %scan3A to %scan3A_4 step %scan3A_5  : i32 {
      %mul3A_88 = arith.constant 1 : i32
      %mul3A_89 = arith.muli %scan3A_87, %mul3A_88 : i32
      %add3A_90 = arith.constant 0 : i32
      %add3A_91 = arith.addi %add3A_90, %mul3A_89 : i32
      %broadcast_in_dim3A = arith.constant 0.000000e+00 : f32
      %broadcast_in_dim3A_92 = vector.broadcast %broadcast_in_dim3A : f32 to vector<16xf32>
      %add3A_93 = arith.constant 0.000000e+00 : f32
      %add3A_94 = vector.broadcast %add3A_93 : f32 to vector<16xf32>
      %add3A_95 = arith.addf %broadcast_in_dim3A_92, %add3A_94 : vector<16xf32>
      %swap3A = arith.index_cast %add3A_91 : i32 to index
      %swap3A_96 = arith.constant 0 : index
      %swap3A_97 = tpu.vector_load %arg7[%swap3A, %swap3A_96] {strides = array<i32>} : memref<128x128xf32, #tpu.memory_space<vmem>>, vector<1x16xf32>,
      %swap3A_98 = vector.shape_cast %swap3A_97 : vector<1x16xf32> to vector<16xf32>
      %swap3A_99 = vector.shape_cast %add3A_95 : vector<16xf32> to vector<1x16xf32>
      tpu.vector_store %arg7[%swap3A, %swap3A_96], %swap3A_99 {strides = array<i32>} : memref<128x128xf32, #tpu.memory_space<vmem>>, vector<1x16xf32>,
      %swap3A_100 = arith.index_cast %add3A_91 : i32 to index
      %swap3A_101 = arith.constant 16 : index
      %swap3A_102 = tpu.vector_load %arg7[%swap3A_100, %swap3A_101] {strides = array<i32>} : memref<128x128xf32, #tpu.memory_space<vmem>>, vector<1x16xf32>,
      %swap3A_103 = vector.shape_cast %swap3A_102 : vector<1x16xf32> to vector<16xf32>
      %swap3A_104 = vector.shape_cast %add3A_95 : vector<16xf32> to vector<1x16xf32>
      tpu.vector_store %arg7[%swap3A_100, %swap3A_101], %swap3A_104 {strides = array<i32>} : memref<128x128xf32, #tpu.memory_space<vmem>>, vector<1x16xf32>,
      %swap3A_105 = arith.index_cast %add3A_91 : i32 to index
      %swap3A_106 = arith.constant 32 : index
      %swap3A_107 = tpu.vector_load %arg7[%swap3A_105, %swap3A_106] {strides = array<i32>} : memref<128x128xf32, #tpu.memory_space<vmem>>, vector<1x16xf32>,
      %swap3A_108 = vector.shape_cast %swap3A_107 : vector<1x16xf32> to vector<16xf32>
      %swap3A_109 = vector.shape_cast %add3A_95 : vector<16xf32> to vector<1x16xf32>
      tpu.vector_store %arg7[%swap3A_105, %swap3A_106], %swap3A_109 {strides = array<i32>} : memref<128x128xf32, #tpu.memory_space<vmem>>, vector<1x16xf32>,
      %swap3A_110 = arith.index_cast %add3A_91 : i32 to index
      %swap3A_111 = arith.constant 48 : index
      %swap3A_112 = tpu.vector_load %arg7[%swap3A_110, %swap3A_111] {strides = array<i32>} : memref<128x128xf32, #tpu.memory_space<vmem>>, vector<1x16xf32>,
      %swap3A_113 = vector.shape_cast %swap3A_112 : vector<1x16xf32> to vector<16xf32>
      %swap3A_114 = vector.shape_cast %add3A_95 : vector<16xf32> to vector<1x16xf32>
      tpu.vector_store %arg7[%swap3A_110, %swap3A_111], %swap3A_114 {strides = array<i32>} : memref<128x128xf32, #tpu.memory_space<vmem>>, vector<1x16xf32>,
      %swap3A_115 = arith.index_cast %add3A_91 : i32 to index
      %swap3A_116 = arith.constant 64 : index
      %swap3A_117 = tpu.vector_load %arg7[%swap3A_115, %swap3A_116] {strides = array<i32>} : memref<128x128xf32, #tpu.memory_space<vmem>>, vector<1x16xf32>,
      %swap3A_118 = vector.shape_cast %swap3A_117 : vector<1x16xf32> to vector<16xf32>
      %swap3A_119 = vector.shape_cast %add3A_95 : vector<16xf32> to vector<1x16xf32>
      tpu.vector_store %arg7[%swap3A_115, %swap3A_116], %swap3A_119 {strides = array<i32>} : memref<128x128xf32, #tpu.memory_space<vmem>>, vector<1x16xf32>,
      %swap3A_120 = arith.index_cast %add3A_91 : i32 to index
      %swap3A_121 = arith.constant 80 : index
      %swap3A_122 = tpu.vector_load %arg7[%swap3A_120, %swap3A_121] {strides = array<i32>} : memref<128x128xf32, #tpu.memory_space<vmem>>, vector<1x16xf32>,
      %swap3A_123 = vector.shape_cast %swap3A_122 : vector<1x16xf32> to vector<16xf32>
      %swap3A_124 = vector.shape_cast %add3A_95 : vector<16xf32> to vector<1x16xf32>
      tpu.vector_store %arg7[%swap3A_120, %swap3A_121], %swap3A_124 {strides = array<i32>} : memref<128x128xf32, #tpu.memory_space<vmem>>, vector<1x16xf32>,
      %swap3A_125 = arith.index_cast %add3A_91 : i32 to index
      %swap3A_126 = arith.constant 96 : index
      %swap3A_127 = tpu.vector_load %arg7[%swap3A_125, %swap3A_126] {strides = array<i32>} : memref<128x128xf32, #tpu.memory_space<vmem>>, vector<1x16xf32>,
      %swap3A_128 = vector.shape_cast %swap3A_127 : vector<1x16xf32> to vector<16xf32>
      %swap3A_129 = vector.shape_cast %add3A_95 : vector<16xf32> to vector<1x16xf32>
      tpu.vector_store %arg7[%swap3A_125, %swap3A_126], %swap3A_129 {strides = array<i32>} : memref<128x128xf32, #tpu.memory_space<vmem>>, vector<1x16xf32>,
      %swap3A_130 = arith.index_cast %add3A_91 : i32 to index
      %swap3A_131 = arith.constant 112 : index
      %swap3A_132 = tpu.vector_load %arg7[%swap3A_130, %swap3A_131] {strides = array<i32>} : memref<128x128xf32, #tpu.memory_space<vmem>>, vector<1x16xf32>,
      %swap3A_133 = vector.shape_cast %swap3A_132 : vector<1x16xf32> to vector<16xf32>
      %swap3A_134 = vector.shape_cast %add3A_95 : vector<16xf32> to vector<1x16xf32>
      tpu.vector_store %arg7[%swap3A_130, %swap3A_131], %swap3A_134 {strides = array<i32>} : memref<128x128xf32, #tpu.memory_space<vmem>>, vector<1x16xf32>,
    }
    %scan3A_6 = arith.constant 128 : i32
    %add3A_7 = arith.constant 0 : i32
    %add3A_8 = arith.addi %mul3A_2, %add3A_7 : i32
    "tpu.region"() ({
      %run_scoped3A = tpu.sem_alloc : memref<!tpu.dma_semaphore, #tpu.memory_space<semaphore_mem>>
      %dma_start3A = arith.constant 0 : i32
      %dma_start3A_87 = tpu.memref_slice %arg9[%add3A_8, %dma_start3A] : memref<10112x128xf32, #tpu.memory_space<vmem_shared>> -> memref<128x128xf32, #tpu.memory_space<vmem_shared>>
      %dma_start3A_88 = arith.constant 0 : i32
      %dma_start3A_89 = tpu.memref_slice %arg9[%add3A_8, %dma_start3A_88] : memref<10112x128xf32, #tpu.memory_space<vmem_shared>> -> memref<128x128xf32, #tpu.memory_space<vmem_shared>>
      tpu.enqueue_dma source(%arg7 : memref<128x128xf32, #tpu.memory_space<vmem>>) target(%dma_start3A_89 : memref<128x128xf32, #tpu.memory_space<vmem_shared>>) target_semaphore(%run_scoped3A : memref<!tpu.dma_semaphore, #tpu.memory_space<semaphore_mem>>)
      %dma_wait3A = arith.constant 0 : i32
      %dma_wait3A_90 = tpu.memref_slice %arg9[%add3A_8, %dma_wait3A] : memref<10112x128xf32, #tpu.memory_space<vmem_shared>> -> memref<128x128xf32, #tpu.memory_space<vmem_shared>>
      %dma_wait3A_91 = arith.constant 0 : i32
      %dma_wait3A_92 = tpu.memref_slice %arg9[%add3A_8, %dma_wait3A_91] : memref<10112x128xf32, #tpu.memory_space<vmem_shared>> -> memref<128x128xf32, #tpu.memory_space<vmem_shared>>
      tpu.wait_dma2 semaphore(%run_scoped3A : memref<!tpu.dma_semaphore, #tpu.memory_space<semaphore_mem>>) src(%arg7 : memref<128x128xf32, #tpu.memory_space<vmem>>) dst(%dma_wait3A_92 : memref<128x128xf32, #tpu.memory_space<vmem_shared>>)
      tpu.yield
    }) : () -> ()
    %add3A_9 = arith.constant 128 : i32
    %add3A_10 = arith.addi %mul3A_2, %add3A_9 : i32
    "tpu.region"() ({
      %run_scoped3A = tpu.sem_alloc : memref<!tpu.dma_semaphore, #tpu.memory_space<semaphore_mem>>
      %dma_start3A = arith.constant 0 : i32
      %dma_start3A_87 = tpu.memref_slice %arg9[%add3A_10, %dma_start3A] : memref<10112x128xf32, #tpu.memory_space<vmem_shared>> -> memref<128x128xf32, #tpu.memory_space<vmem_shared>>
      %dma_start3A_88 = arith.constant 0 : i32
      %dma_start3A_89 = tpu.memref_slice %arg9[%add3A_10, %dma_start3A_88] : memref<10112x128xf32, #tpu.memory_space<vmem_shared>> -> memref<128x128xf32, #tpu.memory_space<vmem_shared>>
      tpu.enqueue_dma source(%arg7 : memref<128x128xf32, #tpu.memory_space<vmem>>) target(%dma_start3A_89 : memref<128x128xf32, #tpu.memory_space<vmem_shared>>) target_semaphore(%run_scoped3A : memref<!tpu.dma_semaphore, #tpu.memory_space<semaphore_mem>>)
      %dma_wait3A = arith.constant 0 : i32
      %dma_wait3A_90 = tpu.memref_slice %arg9[%add3A_10, %dma_wait3A] : memref<10112x128xf32, #tpu.memory_space<vmem_shared>> -> memref<128x128xf32, #tpu.memory_space<vmem_shared>>
      %dma_wait3A_91 = arith.constant 0 : i32
      %dma_wait3A_92 = tpu.memref_slice %arg9[%add3A_10, %dma_wait3A_91] : memref<10112x128xf32, #tpu.memory_space<vmem_shared>> -> memref<128x128xf32, #tpu.memory_space<vmem_shared>>
      tpu.wait_dma2 semaphore(%run_scoped3A : memref<!tpu.dma_semaphore, #tpu.memory_space<semaphore_mem>>) src(%arg7 : memref<128x128xf32, #tpu.memory_space<vmem>>) dst(%dma_wait3A_92 : memref<128x128xf32, #tpu.memory_space<vmem_shared>>)
      tpu.yield
    }) : () -> ()
    %add3A_11 = arith.constant 256 : i32
    %add3A_12 = arith.addi %mul3A_2, %add3A_11 : i32
    "tpu.region"() ({
      %run_scoped3A = tpu.sem_alloc : memref<!tpu.dma_semaphore, #tpu.memory_space<semaphore_mem>>
      %dma_start3A = arith.constant 0 : i32
      %dma_start3A_87 = tpu.memref_slice %arg9[%add3A_12, %dma_start3A] : memref<10112x128xf32, #tpu.memory_space<vmem_shared>> -> memref<128x128xf32, #tpu.memory_space<vmem_shared>>
      %dma_start3A_88 = arith.constant 0 : i32
      %dma_start3A_89 = tpu.memref_slice %arg9[%add3A_12, %dma_start3A_88] : memref<10112x128xf32, #tpu.memory_space<vmem_shared>> -> memref<128x128xf32, #tpu.memory_space<vmem_shared>>
      tpu.enqueue_dma source(%arg7 : memref<128x128xf32, #tpu.memory_space<vmem>>) target(%dma_start3A_89 : memref<128x128xf32, #tpu.memory_space<vmem_shared>>) target_semaphore(%run_scoped3A : memref<!tpu.dma_semaphore, #tpu.memory_space<semaphore_mem>>)
      %dma_wait3A = arith.constant 0 : i32
      %dma_wait3A_90 = tpu.memref_slice %arg9[%add3A_12, %dma_wait3A] : memref<10112x128xf32, #tpu.memory_space<vmem_shared>> -> memref<128x128xf32, #tpu.memory_space<vmem_shared>>
      %dma_wait3A_91 = arith.constant 0 : i32
      %dma_wait3A_92 = tpu.memref_slice %arg9[%add3A_12, %dma_wait3A_91] : memref<10112x128xf32, #tpu.memory_space<vmem_shared>> -> memref<128x128xf32, #tpu.memory_space<vmem_shared>>
      tpu.wait_dma2 semaphore(%run_scoped3A : memref<!tpu.dma_semaphore, #tpu.memory_space<semaphore_mem>>) src(%arg7 : memref<128x128xf32, #tpu.memory_space<vmem>>) dst(%dma_wait3A_92 : memref<128x128xf32, #tpu.memory_space<vmem_shared>>)
      tpu.yield
    }) : () -> ()
    %add3A_13 = arith.constant 384 : i32
    %add3A_14 = arith.addi %mul3A_2, %add3A_13 : i32
    "tpu.region"() ({
      %run_scoped3A = tpu.sem_alloc : memref<!tpu.dma_semaphore, #tpu.memory_space<semaphore_mem>>
      %dma_start3A = arith.constant 0 : i32
      %dma_start3A_87 = tpu.memref_slice %arg9[%add3A_14, %dma_start3A] : memref<10112x128xf32, #tpu.memory_space<vmem_shared>> -> memref<128x128xf32, #tpu.memory_space<vmem_shared>>
      %dma_start3A_88 = arith.constant 0 : i32
      %dma_start3A_89 = tpu.memref_slice %arg9[%add3A_14, %dma_start3A_88] : memref<10112x128xf32, #tpu.memory_space<vmem_shared>> -> memref<128x128xf32, #tpu.memory_space<vmem_shared>>
      tpu.enqueue_dma source(%arg7 : memref<128x128xf32, #tpu.memory_space<vmem>>) target(%dma_start3A_89 : memref<128x128xf32, #tpu.memory_space<vmem_shared>>) target_semaphore(%run_scoped3A : memref<!tpu.dma_semaphore, #tpu.memory_space<semaphore_mem>>)
      %dma_wait3A = arith.constant 0 : i32
      %dma_wait3A_90 = tpu.memref_slice %arg9[%add3A_14, %dma_wait3A] : memref<10112x128xf32, #tpu.memory_space<vmem_shared>> -> memref<128x128xf32, #tpu.memory_space<vmem_shared>>
      %dma_wait3A_91 = arith.constant 0 : i32
      %dma_wait3A_92 = tpu.memref_slice %arg9[%add3A_14, %dma_wait3A_91] : memref<10112x128xf32, #tpu.memory_space<vmem_shared>> -> memref<128x128xf32, #tpu.memory_space<vmem_shared>>
      tpu.wait_dma2 semaphore(%run_scoped3A : memref<!tpu.dma_semaphore, #tpu.memory_space<semaphore_mem>>) src(%arg7 : memref<128x128xf32, #tpu.memory_space<vmem>>) dst(%dma_wait3A_92 : memref<128x128xf32, #tpu.memory_space<vmem_shared>>)
      tpu.yield
    }) : () -> ()
    %add3A_15 = arith.constant 512 : i32
    %add3A_16 = arith.addi %mul3A_2, %add3A_15 : i32
    "tpu.region"() ({
      %run_scoped3A = tpu.sem_alloc : memref<!tpu.dma_semaphore, #tpu.memory_space<semaphore_mem>>
      %dma_start3A = arith.constant 0 : i32
      %dma_start3A_87 = arith.constant 0 : i32
      %dma_start3A_88 = tpu.memref_slice %arg7[%dma_start3A, %dma_start3A_87] : memref<128x128xf32, #tpu.memory_space<vmem>> -> memref<120x128xf32, #tpu.memory_space<vmem>>
      %dma_start3A_89 = arith.constant 0 : i32
      %dma_start3A_90 = tpu.memref_slice %arg9[%add3A_16, %dma_start3A_89] : memref<10112x128xf32, #tpu.memory_space<vmem_shared>> -> memref<120x128xf32, #tpu.memory_space<vmem_shared>>
      %dma_start3A_91 = arith.constant 0 : i32
      %dma_start3A_92 = tpu.memref_slice %arg9[%add3A_16, %dma_start3A_91] : memref<10112x128xf32, #tpu.memory_space<vmem_shared>> -> memref<120x128xf32, #tpu.memory_space<vmem_shared>>
      %dma_start3A_93 = arith.constant 0 : i32
      %dma_start3A_94 = arith.constant 0 : i32
      %dma_start3A_95 = tpu.memref_slice %arg7[%dma_start3A_93, %dma_start3A_94] : memref<128x128xf32, #tpu.memory_space<vmem>> -> memref<120x128xf32, #tpu.memory_space<vmem>>
      tpu.enqueue_dma source(%dma_start3A_95 : memref<120x128xf32, #tpu.memory_space<vmem>>) target(%dma_start3A_92 : memref<120x128xf32, #tpu.memory_space<vmem_shared>>) target_semaphore(%run_scoped3A : memref<!tpu.dma_semaphore, #tpu.memory_space<semaphore_mem>>)
      %dma_wait3A = arith.constant 0 : i32
      %dma_wait3A_96 = arith.constant 0 : i32
      %dma_wait3A_97 = tpu.memref_slice %arg7[%dma_wait3A, %dma_wait3A_96] : memref<128x128xf32, #tpu.memory_space<vmem>> -> memref<120x128xf32, #tpu.memory_space<vmem>>
      %dma_wait3A_98 = arith.constant 0 : i32
      %dma_wait3A_99 = tpu.memref_slice %arg9[%add3A_16, %dma_wait3A_98] : memref<10112x128xf32, #tpu.memory_space<vmem_shared>> -> memref<120x128xf32, #tpu.memory_space<vmem_shared>>
      %dma_wait3A_100 = arith.constant 0 : i32
      %dma_wait3A_101 = tpu.memref_slice %arg9[%add3A_16, %dma_wait3A_100] : memref<10112x128xf32, #tpu.memory_space<vmem_shared>> -> memref<120x128xf32, #tpu.memory_space<vmem_shared>>
      %dma_wait3A_102 = arith.constant 0 : i32
      %dma_wait3A_103 = arith.constant 0 : i32
      %dma_wait3A_104 = tpu.memref_slice %arg7[%dma_wait3A_102, %dma_wait3A_103] : memref<128x128xf32, #tpu.memory_space<vmem>> -> memref<120x128xf32, #tpu.memory_space<vmem>>
      tpu.wait_dma2 semaphore(%run_scoped3A : memref<!tpu.dma_semaphore, #tpu.memory_space<semaphore_mem>>) src(%dma_wait3A_104 : memref<120x128xf32, #tpu.memory_space<vmem>>) dst(%dma_wait3A_101 : memref<120x128xf32, #tpu.memory_space<vmem_shared>>)
      tpu.yield
    }) : () -> ()
    %barrier3A = arith.constant 0 : index
    tpu.barrier barrier_id(%barrier3A)
    %scan3A_17 = arith.constant 0 : i32
    %scan3A_18 = arith.constant 10 : i32
    %scan3A_19 = arith.addi %scan3A_17, %scan3A_18 : i32
    %scan3A_20 = arith.constant 1 : i32
    scf.for %scan3A_87 = %scan3A_17 to %scan3A_19 step %scan3A_20  : i32 {
      %mul3A_88 = arith.constant 1 : i32
      %mul3A_89 = arith.muli %scan3A_87, %mul3A_88 : i32
      %add3A_90 = arith.constant 0 : i32
      %add3A_91 = arith.addi %add3A_90, %mul3A_89 : i32
      "tpu.region"() ({
        %run_scoped3A_233 = tpu.sem_alloc : memref<!tpu.dma_semaphore, #tpu.memory_space<semaphore_mem>>
        %dma_start3A_234 = arith.constant 0 : i32
        %dma_start3A_235 = arith.constant 0 : i32
        %dma_start3A_236 = arith.constant 0 : i32
        %dma_start3A_237 = tpu.memref_slice %arg3[%add3A, %add3A_91, %dma_start3A_234, %dma_start3A_235, %dma_start3A_236] : memref<32x10x2x8x128xi32, #tpu.memory_space<hbm>> -> memref<1x1x2x8x128xi32, #tpu.memory_space<hbm>>
        %dma_start3A_238 = tpu.memref_squeeze %dma_start3A_237 : memref<1x1x2x8x128xi32, #tpu.memory_space<hbm>> -> memref<2x8x128xi32, #tpu.memory_space<hbm>>
        %dma_start3A_239 = arith.constant 0 : i32
        %dma_start3A_240 = arith.constant 0 : i32
        %dma_start3A_241 = arith.constant 0 : i32
        %dma_start3A_242 = tpu.memref_slice %arg3[%add3A, %add3A_91, %dma_start3A_239, %dma_start3A_240, %dma_start3A_241] : memref<32x10x2x8x128xi32, #tpu.memory_space<hbm>> -> memref<1x1x2x8x128xi32, #tpu.memory_space<hbm>>
        %dma_start3A_243 = tpu.memref_squeeze %dma_start3A_242 : memref<1x1x2x8x128xi32, #tpu.memory_space<hbm>> -> memref<2x8x128xi32, #tpu.memory_space<hbm>>
        tpu.enqueue_dma source(%dma_start3A_243 : memref<2x8x128xi32, #tpu.memory_space<hbm>>) target(%arg6 : memref<2x8x128xi32, #tpu.memory_space<vmem>>) target_semaphore(%run_scoped3A_233 : memref<!tpu.dma_semaphore, #tpu.memory_space<semaphore_mem>>)
        %dma_wait3A_244 = arith.constant 0 : i32
        %dma_wait3A_245 = arith.constant 0 : i32
        %dma_wait3A_246 = arith.constant 0 : i32
        %dma_wait3A_247 = tpu.memref_slice %arg3[%add3A, %add3A_91, %dma_wait3A_244, %dma_wait3A_245, %dma_wait3A_246] : memref<32x10x2x8x128xi32, #tpu.memory_space<hbm>> -> memref<1x1x2x8x128xi32, #tpu.memory_space<hbm>>
        %dma_wait3A_248 = tpu.memref_squeeze %dma_wait3A_247 : memref<1x1x2x8x128xi32, #tpu.memory_space<hbm>> -> memref<2x8x128xi32, #tpu.memory_space<hbm>>
        %dma_wait3A_249 = arith.constant 0 : i32
        %dma_wait3A_250 = arith.constant 0 : i32
        %dma_wait3A_251 = arith.constant 0 : i32
        %dma_wait3A_252 = tpu.memref_slice %arg3[%add3A, %add3A_91, %dma_wait3A_249, %dma_wait3A_250, %dma_wait3A_251] : memref<32x10x2x8x128xi32, #tpu.memory_space<hbm>> -> memref<1x1x2x8x128xi32, #tpu.memory_space<hbm>>
        %dma_wait3A_253 = tpu.memref_squeeze %dma_wait3A_252 : memref<1x1x2x8x128xi32, #tpu.memory_space<hbm>> -> memref<2x8x128xi32, #tpu.memory_space<hbm>>
        tpu.wait_dma2 semaphore(%run_scoped3A_233 : memref<!tpu.dma_semaphore, #tpu.memory_space<semaphore_mem>>) src(%dma_wait3A_253 : memref<2x8x128xi32, #tpu.memory_space<hbm>>) dst(%arg6 : memref<2x8x128xi32, #tpu.memory_space<vmem>>)
        tpu.yield
      }) : () -> ()
      %dma_start3A = arith.constant 0 : i32
      %dma_start3A_92 = arith.constant 0 : i32
      %dma_start3A_93 = arith.constant 0 : i32
      %dma_start3A_94 = tpu.memref_slice %arg6[%dma_start3A, %dma_start3A_92, %dma_start3A_93] : memref<2x8x128xi32, #tpu.memory_space<vmem>> -> memref<1x1x128xi32, #tpu.memory_space<vmem>>
      %dma_start3A_95 = tpu.memref_squeeze %dma_start3A_94 : memref<1x1x128xi32, #tpu.memory_space<vmem>> -> memref<128xi32, #tpu.memory_space<vmem>>
      %dma_start3A_96 = arith.constant 0 : i32
      %dma_start3A_97 = arith.constant 0 : i32
      %dma_start3A_98 = tpu.memref_slice %arg2[%dma_start3A_96, %dma_start3A_97] : memref<10000x128xf32, #tpu.memory_space<hbm>> -> memref<10000x128xf32, #tpu.memory_space<hbm>>
      tpu.enqueue_indirect_dma source(%dma_start3A_98 : memref<10000x128xf32, #tpu.memory_space<hbm>>) target(%arg7 : memref<128x128xf32, #tpu.memory_space<vmem>>) offsets(%dma_start3A_95 : memref<128xi32, #tpu.memory_space<vmem>>) semaphore(%arg10 : memref<!tpu.dma_semaphore, #tpu.memory_space<semaphore_mem>>)
      %dma_start3A_99 = arith.constant 0 : i32
      %dma_start3A_100 = arith.constant 1 : i32
      %dma_start3A_101 = arith.constant 0 : i32
      %dma_start3A_102 = tpu.memref_slice %arg6[%dma_start3A_99, %dma_start3A_100, %dma_start3A_101] : memref<2x8x128xi32, #tpu.memory_space<vmem>> -> memref<1x1x128xi32, #tpu.memory_space<vmem>>
      %dma_start3A_103 = tpu.memref_squeeze %dma_start3A_102 : memref<1x1x128xi32, #tpu.memory_space<vmem>> -> memref<128xi32, #tpu.memory_space<vmem>>
      %dma_start3A_104 = arith.constant 0 : i32
      %dma_start3A_105 = arith.constant 0 : i32
      %dma_start3A_106 = tpu.memref_slice %arg2[%dma_start3A_104, %dma_start3A_105] : memref<10000x128xf32, #tpu.memory_space<hbm>> -> memref<10000x128xf32, #tpu.memory_space<hbm>>
      tpu.enqueue_indirect_dma source(%dma_start3A_106 : memref<10000x128xf32, #tpu.memory_space<hbm>>) target(%arg8 : memref<128x128xf32, #tpu.memory_space<vmem>>) offsets(%dma_start3A_103 : memref<128xi32, #tpu.memory_space<vmem>>) semaphore(%arg11 : memref<!tpu.dma_semaphore, #tpu.memory_space<semaphore_mem>>)
      %dma_wait3A = arith.constant 0 : i32
      %dma_wait3A_107 = arith.constant 0 : i32
      %dma_wait3A_108 = arith.constant 0 : i32
      %dma_wait3A_109 = tpu.memref_slice %arg6[%dma_wait3A, %dma_wait3A_107, %dma_wait3A_108] : memref<2x8x128xi32, #tpu.memory_space<vmem>> -> memref<1x1x128xi32, #tpu.memory_space<vmem>>
      %dma_wait3A_110 = tpu.memref_squeeze %dma_wait3A_109 : memref<1x1x128xi32, #tpu.memory_space<vmem>> -> memref<128xi32, #tpu.memory_space<vmem>>
      %dma_wait3A_111 = arith.constant 0 : i32
      %dma_wait3A_112 = arith.constant 0 : i32
      %dma_wait3A_113 = tpu.memref_slice %arg2[%dma_wait3A_111, %dma_wait3A_112] : memref<10000x128xf32, #tpu.memory_space<hbm>> -> memref<10000x128xf32, #tpu.memory_space<hbm>>
      tpu.wait_indirect_dma semaphore(%arg10 : memref<!tpu.dma_semaphore, #tpu.memory_space<semaphore_mem>>) src(%dma_wait3A_113 : memref<10000x128xf32, #tpu.memory_space<hbm>>) dst(%arg7 : memref<128x128xf32, #tpu.memory_space<vmem>>)
      %run_scoped3A = arith.constant 1 : i32
      %run_scoped3A_114 = arith.constant 0 : i32
      "tpu.region"() ({
        %run_scoped3A_233 = tpu.sem_alloc : memref<!tpu.dma_semaphore, #tpu.memory_space<semaphore_mem>>
        %dma_start3A_234 = arith.constant 0 : i32
        %dma_start3A_235 = tpu.memref_slice %arg6[%run_scoped3A, %run_scoped3A_114, %dma_start3A_234] : memref<2x8x128xi32, #tpu.memory_space<vmem>> -> memref<1x1x128xi32, #tpu.memory_space<vmem>>
        %dma_start3A_236 = tpu.memref_squeeze %dma_start3A_235 : memref<1x1x128xi32, #tpu.memory_space<vmem>> -> memref<128xi32, #tpu.memory_space<vmem>>
        %dma_start3A_237 = arith.constant 0 : i32
        %dma_start3A_238 = arith.constant 0 : i32
        %dma_start3A_239 = tpu.memref_slice %arg9[%dma_start3A_237, %dma_start3A_238] : memref<10112x128xf32, #tpu.memory_space<vmem_shared>> -> memref<10112x128xf32, #tpu.memory_space<vmem_shared>>
        tpu.enqueue_indirect_dma source(%arg7 : memref<128x128xf32, #tpu.memory_space<vmem>>) target(%dma_start3A_239 : memref<10112x128xf32, #tpu.memory_space<vmem_shared>>) offsets(%dma_start3A_236 : memref<128xi32, #tpu.memory_space<vmem>>) semaphore(%run_scoped3A_233 : memref<!tpu.dma_semaphore, #tpu.memory_space<semaphore_mem>>) {add = true}
        %dma_wait3A_240 = arith.constant 0 : i32
        %dma_wait3A_241 = tpu.memref_slice %arg6[%run_scoped3A, %run_scoped3A_114, %dma_wait3A_240] : memref<2x8x128xi32, #tpu.memory_space<vmem>> -> memref<1x1x128xi32, #tpu.memory_space<vmem>>
        %dma_wait3A_242 = tpu.memref_squeeze %dma_wait3A_241 : memref<1x1x128xi32, #tpu.memory_space<vmem>> -> memref<128xi32, #tpu.memory_space<vmem>>
        %dma_wait3A_243 = arith.constant 0 : i32
        %dma_wait3A_244 = arith.constant 0 : i32
        %dma_wait3A_245 = tpu.memref_slice %arg9[%dma_wait3A_243, %dma_wait3A_244] : memref<10112x128xf32, #tpu.memory_space<vmem_shared>> -> memref<10112x128xf32, #tpu.memory_space<vmem_shared>>
        tpu.wait_indirect_dma semaphore(%run_scoped3A_233 : memref<!tpu.dma_semaphore, #tpu.memory_space<semaphore_mem>>) src(%arg7 : memref<128x128xf32, #tpu.memory_space<vmem>>) dst(%dma_wait3A_245 : memref<10112x128xf32, #tpu.memory_space<vmem_shared>>)
        tpu.yield
      }) : () -> ()
      %dma_start3A_115 = arith.constant 0 : i32
      %dma_start3A_116 = arith.constant 2 : i32
      %dma_start3A_117 = arith.constant 0 : i32
      %dma_start3A_118 = tpu.memref_slice %arg6[%dma_start3A_115, %dma_start3A_116, %dma_start3A_117] : memref<2x8x128xi32, #tpu.memory_space<vmem>> -> memref<1x1x128xi32, #tpu.memory_space<vmem>>
      %dma_start3A_119 = tpu.memref_squeeze %dma_start3A_118 : memref<1x1x128xi32, #tpu.memory_space<vmem>> -> memref<128xi32, #tpu.memory_space<vmem>>
      %dma_start3A_120 = arith.constant 0 : i32
      %dma_start3A_121 = arith.constant 0 : i32
      %dma_start3A_122 = tpu.memref_slice %arg2[%dma_start3A_120, %dma_start3A_121] : memref<10000x128xf32, #tpu.memory_space<hbm>> -> memref<10000x128xf32, #tpu.memory_space<hbm>>
      tpu.enqueue_indirect_dma source(%dma_start3A_122 : memref<10000x128xf32, #tpu.memory_space<hbm>>) target(%arg7 : memref<128x128xf32, #tpu.memory_space<vmem>>) offsets(%dma_start3A_119 : memref<128xi32, #tpu.memory_space<vmem>>) semaphore(%arg10 : memref<!tpu.dma_semaphore, #tpu.memory_space<semaphore_mem>>)
      %dma_wait3A_123 = arith.constant 0 : i32
      %dma_wait3A_124 = arith.constant 1 : i32
      %dma_wait3A_125 = arith.constant 0 : i32
      %dma_wait3A_126 = tpu.memref_slice %arg6[%dma_wait3A_123, %dma_wait3A_124, %dma_wait3A_125] : memref<2x8x128xi32, #tpu.memory_space<vmem>> -> memref<1x1x128xi32, #tpu.memory_space<vmem>>
      %dma_wait3A_127 = tpu.memref_squeeze %dma_wait3A_126 : memref<1x1x128xi32, #tpu.memory_space<vmem>> -> memref<128xi32, #tpu.memory_space<vmem>>
      %dma_wait3A_128 = arith.constant 0 : i32
      %dma_wait3A_129 = arith.constant 0 : i32
      %dma_wait3A_130 = tpu.memref_slice %arg2[%dma_wait3A_128, %dma_wait3A_129] : memref<10000x128xf32, #tpu.memory_space<hbm>> -> memref<10000x128xf32, #tpu.memory_space<hbm>>
      tpu.wait_indirect_dma semaphore(%arg11 : memref<!tpu.dma_semaphore, #tpu.memory_space<semaphore_mem>>) src(%dma_wait3A_130 : memref<10000x128xf32, #tpu.memory_space<hbm>>) dst(%arg8 : memref<128x128xf32, #tpu.memory_space<vmem>>)
      %run_scoped3A_131 = arith.constant 1 : i32
      %run_scoped3A_132 = arith.constant 1 : i32
      "tpu.region"() ({
        %run_scoped3A_233 = tpu.sem_alloc : memref<!tpu.dma_semaphore, #tpu.memory_space<semaphore_mem>>
        %dma_start3A_234 = arith.constant 0 : i32
        %dma_start3A_235 = tpu.memref_slice %arg6[%run_scoped3A_131, %run_scoped3A_132, %dma_start3A_234] : memref<2x8x128xi32, #tpu.memory_space<vmem>> -> memref<1x1x128xi32, #tpu.memory_space<vmem>>
        %dma_start3A_236 = tpu.memref_squeeze %dma_start3A_235 : memref<1x1x128xi32, #tpu.memory_space<vmem>> -> memref<128xi32, #tpu.memory_space<vmem>>
        %dma_start3A_237 = arith.constant 0 : i32
        %dma_start3A_238 = arith.constant 0 : i32
        %dma_start3A_239 = tpu.memref_slice %arg9[%dma_start3A_237, %dma_start3A_238] : memref<10112x128xf32, #tpu.memory_space<vmem_shared>> -> memref<10112x128xf32, #tpu.memory_space<vmem_shared>>
        tpu.enqueue_indirect_dma source(%arg8 : memref<128x128xf32, #tpu.memory_space<vmem>>) target(%dma_start3A_239 : memref<10112x128xf32, #tpu.memory_space<vmem_shared>>) offsets(%dma_start3A_236 : memref<128xi32, #tpu.memory_space<vmem>>) semaphore(%run_scoped3A_233 : memref<!tpu.dma_semaphore, #tpu.memory_space<semaphore_mem>>) {add = true}
        %dma_wait3A_240 = arith.constant 0 : i32
        %dma_wait3A_241 = tpu.memref_slice %arg6[%run_scoped3A_131, %run_scoped3A_132, %dma_wait3A_240] : memref<2x8x128xi32, #tpu.memory_space<vmem>> -> memref<1x1x128xi32, #tpu.memory_space<vmem>>
        %dma_wait3A_242 = tpu.memref_squeeze %dma_wait3A_241 : memref<1x1x128xi32, #tpu.memory_space<vmem>> -> memref<128xi32, #tpu.memory_space<vmem>>
        %dma_wait3A_243 = arith.constant 0 : i32
        %dma_wait3A_244 = arith.constant 0 : i32
        %dma_wait3A_245 = tpu.memref_slice %arg9[%dma_wait3A_243, %dma_wait3A_244] : memref<10112x128xf32, #tpu.memory_space<vmem_shared>> -> memref<10112x128xf32, #tpu.memory_space<vmem_shared>>
        tpu.wait_indirect_dma semaphore(%run_scoped3A_233 : memref<!tpu.dma_semaphore, #tpu.memory_space<semaphore_mem>>) src(%arg8 : memref<128x128xf32, #tpu.memory_space<vmem>>) dst(%dma_wait3A_245 : memref<10112x128xf32, #tpu.memory_space<vmem_shared>>)
        tpu.yield
      }) : () -> ()
      %dma_start3A_133 = arith.constant 0 : i32
      %dma_start3A_134 = arith.constant 3 : i32
      %dma_start3A_135 = arith.constant 0 : i32
      %dma_start3A_136 = tpu.memref_slice %arg6[%dma_start3A_133, %dma_start3A_134, %dma_start3A_135] : memref<2x8x128xi32, #tpu.memory_space<vmem>> -> memref<1x1x128xi32, #tpu.memory_space<vmem>>
      %dma_start3A_137 = tpu.memref_squeeze %dma_start3A_136 : memref<1x1x128xi32, #tpu.memory_space<vmem>> -> memref<128xi32, #tpu.memory_space<vmem>>
      %dma_start3A_138 = arith.constant 0 : i32
      %dma_start3A_139 = arith.constant 0 : i32
      %dma_start3A_140 = tpu.memref_slice %arg2[%dma_start3A_138, %dma_start3A_139] : memref<10000x128xf32, #tpu.memory_space<hbm>> -> memref<10000x128xf32, #tpu.memory_space<hbm>>
      tpu.enqueue_indirect_dma source(%dma_start3A_140 : memref<10000x128xf32, #tpu.memory_space<hbm>>) target(%arg8 : memref<128x128xf32, #tpu.memory_space<vmem>>) offsets(%dma_start3A_137 : memref<128xi32, #tpu.memory_space<vmem>>) semaphore(%arg11 : memref<!tpu.dma_semaphore, #tpu.memory_space<semaphore_mem>>)
      %dma_wait3A_141 = arith.constant 0 : i32
      %dma_wait3A_142 = arith.constant 2 : i32
      %dma_wait3A_143 = arith.constant 0 : i32
      %dma_wait3A_144 = tpu.memref_slice %arg6[%dma_wait3A_141, %dma_wait3A_142, %dma_wait3A_143] : memref<2x8x128xi32, #tpu.memory_space<vmem>> -> memref<1x1x128xi32, #tpu.memory_space<vmem>>
      %dma_wait3A_145 = tpu.memref_squeeze %dma_wait3A_144 : memref<1x1x128xi32, #tpu.memory_space<vmem>> -> memref<128xi32, #tpu.memory_space<vmem>>
      %dma_wait3A_146 = arith.constant 0 : i32
      %dma_wait3A_147 = arith.constant 0 : i32
      %dma_wait3A_148 = tpu.memref_slice %arg2[%dma_wait3A_146, %dma_wait3A_147] : memref<10000x128xf32, #tpu.memory_space<hbm>> -> memref<10000x128xf32, #tpu.memory_space<hbm>>
      tpu.wait_indirect_dma semaphore(%arg10 : memref<!tpu.dma_semaphore, #tpu.memory_space<semaphore_mem>>) src(%dma_wait3A_148 : memref<10000x128xf32, #tpu.memory_space<hbm>>) dst(%arg7 : memref<128x128xf32, #tpu.memory_space<vmem>>)
      %run_scoped3A_149 = arith.constant 1 : i32
      %run_scoped3A_150 = arith.constant 2 : i32
      "tpu.region"() ({
        %run_scoped3A_233 = tpu.sem_alloc : memref<!tpu.dma_semaphore, #tpu.memory_space<semaphore_mem>>
        %dma_start3A_234 = arith.constant 0 : i32
        %dma_start3A_235 = tpu.memref_slice %arg6[%run_scoped3A_149, %run_scoped3A_150, %dma_start3A_234] : memref<2x8x128xi32, #tpu.memory_space<vmem>> -> memref<1x1x128xi32, #tpu.memory_space<vmem>>
        %dma_start3A_236 = tpu.memref_squeeze %dma_start3A_235 : memref<1x1x128xi32, #tpu.memory_space<vmem>> -> memref<128xi32, #tpu.memory_space<vmem>>
        %dma_start3A_237 = arith.constant 0 : i32
        %dma_start3A_238 = arith.constant 0 : i32
        %dma_start3A_239 = tpu.memref_slice %arg9[%dma_start3A_237, %dma_start3A_238] : memref<10112x128xf32, #tpu.memory_space<vmem_shared>> -> memref<10112x128xf32, #tpu.memory_space<vmem_shared>>
        tpu.enqueue_indirect_dma source(%arg7 : memref<128x128xf32, #tpu.memory_space<vmem>>) target(%dma_start3A_239 : memref<10112x128xf32, #tpu.memory_space<vmem_shared>>) offsets(%dma_start3A_236 : memref<128xi32, #tpu.memory_space<vmem>>) semaphore(%run_scoped3A_233 : memref<!tpu.dma_semaphore, #tpu.memory_space<semaphore_mem>>) {add = true}
        %dma_wait3A_240 = arith.constant 0 : i32
        %dma_wait3A_241 = tpu.memref_slice %arg6[%run_scoped3A_149, %run_scoped3A_150, %dma_wait3A_240] : memref<2x8x128xi32, #tpu.memory_space<vmem>> -> memref<1x1x128xi32, #tpu.memory_space<vmem>>
        %dma_wait3A_242 = tpu.memref_squeeze %dma_wait3A_241 : memref<1x1x128xi32, #tpu.memory_space<vmem>> -> memref<128xi32, #tpu.memory_space<vmem>>
        %dma_wait3A_243 = arith.constant 0 : i32
        %dma_wait3A_244 = arith.constant 0 : i32
        %dma_wait3A_245 = tpu.memref_slice %arg9[%dma_wait3A_243, %dma_wait3A_244] : memref<10112x128xf32, #tpu.memory_space<vmem_shared>> -> memref<10112x128xf32, #tpu.memory_space<vmem_shared>>
        tpu.wait_indirect_dma semaphore(%run_scoped3A_233 : memref<!tpu.dma_semaphore, #tpu.memory_space<semaphore_mem>>) src(%arg7 : memref<128x128xf32, #tpu.memory_space<vmem>>) dst(%dma_wait3A_245 : memref<10112x128xf32, #tpu.memory_space<vmem_shared>>)
        tpu.yield
      }) : () -> ()
      %dma_start3A_151 = arith.constant 0 : i32
      %dma_start3A_152 = arith.constant 4 : i32
      %dma_start3A_153 = arith.constant 0 : i32
      %dma_start3A_154 = tpu.memref_slice %arg6[%dma_start3A_151, %dma_start3A_152, %dma_start3A_153] : memref<2x8x128xi32, #tpu.memory_space<vmem>> -> memref<1x1x128xi32, #tpu.memory_space<vmem>>
      %dma_start3A_155 = tpu.memref_squeeze %dma_start3A_154 : memref<1x1x128xi32, #tpu.memory_space<vmem>> -> memref<128xi32, #tpu.memory_space<vmem>>
      %dma_start3A_156 = arith.constant 0 : i32
      %dma_start3A_157 = arith.constant 0 : i32
      %dma_start3A_158 = tpu.memref_slice %arg2[%dma_start3A_156, %dma_start3A_157] : memref<10000x128xf32, #tpu.memory_space<hbm>> -> memref<10000x128xf32, #tpu.memory_space<hbm>>
      tpu.enqueue_indirect_dma source(%dma_start3A_158 : memref<10000x128xf32, #tpu.memory_space<hbm>>) target(%arg7 : memref<128x128xf32, #tpu.memory_space<vmem>>) offsets(%dma_start3A_155 : memref<128xi32, #tpu.memory_space<vmem>>) semaphore(%arg10 : memref<!tpu.dma_semaphore, #tpu.memory_space<semaphore_mem>>)
      %dma_wait3A_159 = arith.constant 0 : i32
      %dma_wait3A_160 = arith.constant 3 : i32
      %dma_wait3A_161 = arith.constant 0 : i32
      %dma_wait3A_162 = tpu.memref_slice %arg6[%dma_wait3A_159, %dma_wait3A_160, %dma_wait3A_161] : memref<2x8x128xi32, #tpu.memory_space<vmem>> -> memref<1x1x128xi32, #tpu.memory_space<vmem>>
      %dma_wait3A_163 = tpu.memref_squeeze %dma_wait3A_162 : memref<1x1x128xi32, #tpu.memory_space<vmem>> -> memref<128xi32, #tpu.memory_space<vmem>>
      %dma_wait3A_164 = arith.constant 0 : i32
      %dma_wait3A_165 = arith.constant 0 : i32
      %dma_wait3A_166 = tpu.memref_slice %arg2[%dma_wait3A_164, %dma_wait3A_165] : memref<10000x128xf32, #tpu.memory_space<hbm>> -> memref<10000x128xf32, #tpu.memory_space<hbm>>
      tpu.wait_indirect_dma semaphore(%arg11 : memref<!tpu.dma_semaphore, #tpu.memory_space<semaphore_mem>>) src(%dma_wait3A_166 : memref<10000x128xf32, #tpu.memory_space<hbm>>) dst(%arg8 : memref<128x128xf32, #tpu.memory_space<vmem>>)
      %run_scoped3A_167 = arith.constant 1 : i32
      %run_scoped3A_168 = arith.constant 3 : i32
      "tpu.region"() ({
        %run_scoped3A_233 = tpu.sem_alloc : memref<!tpu.dma_semaphore, #tpu.memory_space<semaphore_mem>>
        %dma_start3A_234 = arith.constant 0 : i32
        %dma_start3A_235 = tpu.memref_slice %arg6[%run_scoped3A_167, %run_scoped3A_168, %dma_start3A_234] : memref<2x8x128xi32, #tpu.memory_space<vmem>> -> memref<1x1x128xi32, #tpu.memory_space<vmem>>
        %dma_start3A_236 = tpu.memref_squeeze %dma_start3A_235 : memref<1x1x128xi32, #tpu.memory_space<vmem>> -> memref<128xi32, #tpu.memory_space<vmem>>
        %dma_start3A_237 = arith.constant 0 : i32
        %dma_start3A_238 = arith.constant 0 : i32
        %dma_start3A_239 = tpu.memref_slice %arg9[%dma_start3A_237, %dma_start3A_238] : memref<10112x128xf32, #tpu.memory_space<vmem_shared>> -> memref<10112x128xf32, #tpu.memory_space<vmem_shared>>
        tpu.enqueue_indirect_dma source(%arg8 : memref<128x128xf32, #tpu.memory_space<vmem>>) target(%dma_start3A_239 : memref<10112x128xf32, #tpu.memory_space<vmem_shared>>) offsets(%dma_start3A_236 : memref<128xi32, #tpu.memory_space<vmem>>) semaphore(%run_scoped3A_233 : memref<!tpu.dma_semaphore, #tpu.memory_space<semaphore_mem>>) {add = true}
        %dma_wait3A_240 = arith.constant 0 : i32
        %dma_wait3A_241 = tpu.memref_slice %arg6[%run_scoped3A_167, %run_scoped3A_168, %dma_wait3A_240] : memref<2x8x128xi32, #tpu.memory_space<vmem>> -> memref<1x1x128xi32, #tpu.memory_space<vmem>>
        %dma_wait3A_242 = tpu.memref_squeeze %dma_wait3A_241 : memref<1x1x128xi32, #tpu.memory_space<vmem>> -> memref<128xi32, #tpu.memory_space<vmem>>
        %dma_wait3A_243 = arith.constant 0 : i32
        %dma_wait3A_244 = arith.constant 0 : i32
        %dma_wait3A_245 = tpu.memref_slice %arg9[%dma_wait3A_243, %dma_wait3A_244] : memref<10112x128xf32, #tpu.memory_space<vmem_shared>> -> memref<10112x128xf32, #tpu.memory_space<vmem_shared>>
        tpu.wait_indirect_dma semaphore(%run_scoped3A_233 : memref<!tpu.dma_semaphore, #tpu.memory_space<semaphore_mem>>) src(%arg8 : memref<128x128xf32, #tpu.memory_space<vmem>>) dst(%dma_wait3A_245 : memref<10112x128xf32, #tpu.memory_space<vmem_shared>>)
        tpu.yield
      }) : () -> ()
      %dma_start3A_169 = arith.constant 0 : i32
      %dma_start3A_170 = arith.constant 5 : i32
      %dma_start3A_171 = arith.constant 0 : i32
      %dma_start3A_172 = tpu.memref_slice %arg6[%dma_start3A_169, %dma_start3A_170, %dma_start3A_171] : memref<2x8x128xi32, #tpu.memory_space<vmem>> -> memref<1x1x128xi32, #tpu.memory_space<vmem>>
      %dma_start3A_173 = tpu.memref_squeeze %dma_start3A_172 : memref<1x1x128xi32, #tpu.memory_space<vmem>> -> memref<128xi32, #tpu.memory_space<vmem>>
      %dma_start3A_174 = arith.constant 0 : i32
      %dma_start3A_175 = arith.constant 0 : i32
      %dma_start3A_176 = tpu.memref_slice %arg2[%dma_start3A_174, %dma_start3A_175] : memref<10000x128xf32, #tpu.memory_space<hbm>> -> memref<10000x128xf32, #tpu.memory_space<hbm>>
      tpu.enqueue_indirect_dma source(%dma_start3A_176 : memref<10000x128xf32, #tpu.memory_space<hbm>>) target(%arg8 : memref<128x128xf32, #tpu.memory_space<vmem>>) offsets(%dma_start3A_173 : memref<128xi32, #tpu.memory_space<vmem>>) semaphore(%arg11 : memref<!tpu.dma_semaphore, #tpu.memory_space<semaphore_mem>>)
      %dma_wait3A_177 = arith.constant 0 : i32
      %dma_wait3A_178 = arith.constant 4 : i32
      %dma_wait3A_179 = arith.constant 0 : i32
      %dma_wait3A_180 = tpu.memref_slice %arg6[%dma_wait3A_177, %dma_wait3A_178, %dma_wait3A_179] : memref<2x8x128xi32, #tpu.memory_space<vmem>> -> memref<1x1x128xi32, #tpu.memory_space<vmem>>
      %dma_wait3A_181 = tpu.memref_squeeze %dma_wait3A_180 : memref<1x1x128xi32, #tpu.memory_space<vmem>> -> memref<128xi32, #tpu.memory_space<vmem>>
      %dma_wait3A_182 = arith.constant 0 : i32
      %dma_wait3A_183 = arith.constant 0 : i32
      %dma_wait3A_184 = tpu.memref_slice %arg2[%dma_wait3A_182, %dma_wait3A_183] : memref<10000x128xf32, #tpu.memory_space<hbm>> -> memref<10000x128xf32, #tpu.memory_space<hbm>>
      tpu.wait_indirect_dma semaphore(%arg10 : memref<!tpu.dma_semaphore, #tpu.memory_space<semaphore_mem>>) src(%dma_wait3A_184 : memref<10000x128xf32, #tpu.memory_space<hbm>>) dst(%arg7 : memref<128x128xf32, #tpu.memory_space<vmem>>)
      %run_scoped3A_185 = arith.constant 1 : i32
      %run_scoped3A_186 = arith.constant 4 : i32
      "tpu.region"() ({
        %run_scoped3A_233 = tpu.sem_alloc : memref<!tpu.dma_semaphore, #tpu.memory_space<semaphore_mem>>
        %dma_start3A_234 = arith.constant 0 : i32
        %dma_start3A_235 = tpu.memref_slice %arg6[%run_scoped3A_185, %run_scoped3A_186, %dma_start3A_234] : memref<2x8x128xi32, #tpu.memory_space<vmem>> -> memref<1x1x128xi32, #tpu.memory_space<vmem>>
        %dma_start3A_236 = tpu.memref_squeeze %dma_start3A_235 : memref<1x1x128xi32, #tpu.memory_space<vmem>> -> memref<128xi32, #tpu.memory_space<vmem>>
        %dma_start3A_237 = arith.constant 0 : i32
        %dma_start3A_238 = arith.constant 0 : i32
        %dma_start3A_239 = tpu.memref_slice %arg9[%dma_start3A_237, %dma_start3A_238] : memref<10112x128xf32, #tpu.memory_space<vmem_shared>> -> memref<10112x128xf32, #tpu.memory_space<vmem_shared>>
        tpu.enqueue_indirect_dma source(%arg7 : memref<128x128xf32, #tpu.memory_space<vmem>>) target(%dma_start3A_239 : memref<10112x128xf32, #tpu.memory_space<vmem_shared>>) offsets(%dma_start3A_236 : memref<128xi32, #tpu.memory_space<vmem>>) semaphore(%run_scoped3A_233 : memref<!tpu.dma_semaphore, #tpu.memory_space<semaphore_mem>>) {add = true}
        %dma_wait3A_240 = arith.constant 0 : i32
        %dma_wait3A_241 = tpu.memref_slice %arg6[%run_scoped3A_185, %run_scoped3A_186, %dma_wait3A_240] : memref<2x8x128xi32, #tpu.memory_space<vmem>> -> memref<1x1x128xi32, #tpu.memory_space<vmem>>
        %dma_wait3A_242 = tpu.memref_squeeze %dma_wait3A_241 : memref<1x1x128xi32, #tpu.memory_space<vmem>> -> memref<128xi32, #tpu.memory_space<vmem>>
        %dma_wait3A_243 = arith.constant 0 : i32
        %dma_wait3A_244 = arith.constant 0 : i32
        %dma_wait3A_245 = tpu.memref_slice %arg9[%dma_wait3A_243, %dma_wait3A_244] : memref<10112x128xf32, #tpu.memory_space<vmem_shared>> -> memref<10112x128xf32, #tpu.memory_space<vmem_shared>>
        tpu.wait_indirect_dma semaphore(%run_scoped3A_233 : memref<!tpu.dma_semaphore, #tpu.memory_space<semaphore_mem>>) src(%arg7 : memref<128x128xf32, #tpu.memory_space<vmem>>) dst(%dma_wait3A_245 : memref<10112x128xf32, #tpu.memory_space<vmem_shared>>)
        tpu.yield
      }) : () -> ()
      %dma_start3A_187 = arith.constant 0 : i32
      %dma_start3A_188 = arith.constant 6 : i32
      %dma_start3A_189 = arith.constant 0 : i32
      %dma_start3A_190 = tpu.memref_slice %arg6[%dma_start3A_187, %dma_start3A_188, %dma_start3A_189] : memref<2x8x128xi32, #tpu.memory_space<vmem>> -> memref<1x1x128xi32, #tpu.memory_space<vmem>>
      %dma_start3A_191 = tpu.memref_squeeze %dma_start3A_190 : memref<1x1x128xi32, #tpu.memory_space<vmem>> -> memref<128xi32, #tpu.memory_space<vmem>>
      %dma_start3A_192 = arith.constant 0 : i32
      %dma_start3A_193 = arith.constant 0 : i32
      %dma_start3A_194 = tpu.memref_slice %arg2[%dma_start3A_192, %dma_start3A_193] : memref<10000x128xf32, #tpu.memory_space<hbm>> -> memref<10000x128xf32, #tpu.memory_space<hbm>>
      tpu.enqueue_indirect_dma source(%dma_start3A_194 : memref<10000x128xf32, #tpu.memory_space<hbm>>) target(%arg7 : memref<128x128xf32, #tpu.memory_space<vmem>>) offsets(%dma_start3A_191 : memref<128xi32, #tpu.memory_space<vmem>>) semaphore(%arg10 : memref<!tpu.dma_semaphore, #tpu.memory_space<semaphore_mem>>)
      %dma_wait3A_195 = arith.constant 0 : i32
      %dma_wait3A_196 = arith.constant 5 : i32
      %dma_wait3A_197 = arith.constant 0 : i32
      %dma_wait3A_198 = tpu.memref_slice %arg6[%dma_wait3A_195, %dma_wait3A_196, %dma_wait3A_197] : memref<2x8x128xi32, #tpu.memory_space<vmem>> -> memref<1x1x128xi32, #tpu.memory_space<vmem>>
      %dma_wait3A_199 = tpu.memref_squeeze %dma_wait3A_198 : memref<1x1x128xi32, #tpu.memory_space<vmem>> -> memref<128xi32, #tpu.memory_space<vmem>>
      %dma_wait3A_200 = arith.constant 0 : i32
      %dma_wait3A_201 = arith.constant 0 : i32
      %dma_wait3A_202 = tpu.memref_slice %arg2[%dma_wait3A_200, %dma_wait3A_201] : memref<10000x128xf32, #tpu.memory_space<hbm>> -> memref<10000x128xf32, #tpu.memory_space<hbm>>
      tpu.wait_indirect_dma semaphore(%arg11 : memref<!tpu.dma_semaphore, #tpu.memory_space<semaphore_mem>>) src(%dma_wait3A_202 : memref<10000x128xf32, #tpu.memory_space<hbm>>) dst(%arg8 : memref<128x128xf32, #tpu.memory_space<vmem>>)
      %run_scoped3A_203 = arith.constant 1 : i32
      %run_scoped3A_204 = arith.constant 5 : i32
      "tpu.region"() ({
        %run_scoped3A_233 = tpu.sem_alloc : memref<!tpu.dma_semaphore, #tpu.memory_space<semaphore_mem>>
        %dma_start3A_234 = arith.constant 0 : i32
        %dma_start3A_235 = tpu.memref_slice %arg6[%run_scoped3A_203, %run_scoped3A_204, %dma_start3A_234] : memref<2x8x128xi32, #tpu.memory_space<vmem>> -> memref<1x1x128xi32, #tpu.memory_space<vmem>>
        %dma_start3A_236 = tpu.memref_squeeze %dma_start3A_235 : memref<1x1x128xi32, #tpu.memory_space<vmem>> -> memref<128xi32, #tpu.memory_space<vmem>>
        %dma_start3A_237 = arith.constant 0 : i32
        %dma_start3A_238 = arith.constant 0 : i32
        %dma_start3A_239 = tpu.memref_slice %arg9[%dma_start3A_237, %dma_start3A_238] : memref<10112x128xf32, #tpu.memory_space<vmem_shared>> -> memref<10112x128xf32, #tpu.memory_space<vmem_shared>>
        tpu.enqueue_indirect_dma source(%arg8 : memref<128x128xf32, #tpu.memory_space<vmem>>) target(%dma_start3A_239 : memref<10112x128xf32, #tpu.memory_space<vmem_shared>>) offsets(%dma_start3A_236 : memref<128xi32, #tpu.memory_space<vmem>>) semaphore(%run_scoped3A_233 : memref<!tpu.dma_semaphore, #tpu.memory_space<semaphore_mem>>) {add = true}
        %dma_wait3A_240 = arith.constant 0 : i32
        %dma_wait3A_241 = tpu.memref_slice %arg6[%run_scoped3A_203, %run_scoped3A_204, %dma_wait3A_240] : memref<2x8x128xi32, #tpu.memory_space<vmem>> -> memref<1x1x128xi32, #tpu.memory_space<vmem>>
        %dma_wait3A_242 = tpu.memref_squeeze %dma_wait3A_241 : memref<1x1x128xi32, #tpu.memory_space<vmem>> -> memref<128xi32, #tpu.memory_space<vmem>>
        %dma_wait3A_243 = arith.constant 0 : i32
        %dma_wait3A_244 = arith.constant 0 : i32
        %dma_wait3A_245 = tpu.memref_slice %arg9[%dma_wait3A_243, %dma_wait3A_244] : memref<10112x128xf32, #tpu.memory_space<vmem_shared>> -> memref<10112x128xf32, #tpu.memory_space<vmem_shared>>
        tpu.wait_indirect_dma semaphore(%run_scoped3A_233 : memref<!tpu.dma_semaphore, #tpu.memory_space<semaphore_mem>>) src(%arg8 : memref<128x128xf32, #tpu.memory_space<vmem>>) dst(%dma_wait3A_245 : memref<10112x128xf32, #tpu.memory_space<vmem_shared>>)
        tpu.yield
      }) : () -> ()
      %dma_start3A_205 = arith.constant 0 : i32
      %dma_start3A_206 = arith.constant 7 : i32
      %dma_start3A_207 = arith.constant 0 : i32
      %dma_start3A_208 = tpu.memref_slice %arg6[%dma_start3A_205, %dma_start3A_206, %dma_start3A_207] : memref<2x8x128xi32, #tpu.memory_space<vmem>> -> memref<1x1x128xi32, #tpu.memory_space<vmem>>
      %dma_start3A_209 = tpu.memref_squeeze %dma_start3A_208 : memref<1x1x128xi32, #tpu.memory_space<vmem>> -> memref<128xi32, #tpu.memory_space<vmem>>
      %dma_start3A_210 = arith.constant 0 : i32
      %dma_start3A_211 = arith.constant 0 : i32
      %dma_start3A_212 = tpu.memref_slice %arg2[%dma_start3A_210, %dma_start3A_211] : memref<10000x128xf32, #tpu.memory_space<hbm>> -> memref<10000x128xf32, #tpu.memory_space<hbm>>
      tpu.enqueue_indirect_dma source(%dma_start3A_212 : memref<10000x128xf32, #tpu.memory_space<hbm>>) target(%arg8 : memref<128x128xf32, #tpu.memory_space<vmem>>) offsets(%dma_start3A_209 : memref<128xi32, #tpu.memory_space<vmem>>) semaphore(%arg11 : memref<!tpu.dma_semaphore, #tpu.memory_space<semaphore_mem>>)
      %dma_wait3A_213 = arith.constant 0 : i32
      %dma_wait3A_214 = arith.constant 6 : i32
      %dma_wait3A_215 = arith.constant 0 : i32
      %dma_wait3A_216 = tpu.memref_slice %arg6[%dma_wait3A_213, %dma_wait3A_214, %dma_wait3A_215] : memref<2x8x128xi32, #tpu.memory_space<vmem>> -> memref<1x1x128xi32, #tpu.memory_space<vmem>>
      %dma_wait3A_217 = tpu.memref_squeeze %dma_wait3A_216 : memref<1x1x128xi32, #tpu.memory_space<vmem>> -> memref<128xi32, #tpu.memory_space<vmem>>
      %dma_wait3A_218 = arith.constant 0 : i32
      %dma_wait3A_219 = arith.constant 0 : i32
      %dma_wait3A_220 = tpu.memref_slice %arg2[%dma_wait3A_218, %dma_wait3A_219] : memref<10000x128xf32, #tpu.memory_space<hbm>> -> memref<10000x128xf32, #tpu.memory_space<hbm>>
      tpu.wait_indirect_dma semaphore(%arg10 : memref<!tpu.dma_semaphore, #tpu.memory_space<semaphore_mem>>) src(%dma_wait3A_220 : memref<10000x128xf32, #tpu.memory_space<hbm>>) dst(%arg7 : memref<128x128xf32, #tpu.memory_space<vmem>>)
      %run_scoped3A_221 = arith.constant 1 : i32
      %run_scoped3A_222 = arith.constant 6 : i32
      "tpu.region"() ({
        %run_scoped3A_233 = tpu.sem_alloc : memref<!tpu.dma_semaphore, #tpu.memory_space<semaphore_mem>>
        %dma_start3A_234 = arith.constant 0 : i32
        %dma_start3A_235 = tpu.memref_slice %arg6[%run_scoped3A_221, %run_scoped3A_222, %dma_start3A_234] : memref<2x8x128xi32, #tpu.memory_space<vmem>> -> memref<1x1x128xi32, #tpu.memory_space<vmem>>
        %dma_start3A_236 = tpu.memref_squeeze %dma_start3A_235 : memref<1x1x128xi32, #tpu.memory_space<vmem>> -> memref<128xi32, #tpu.memory_space<vmem>>
        %dma_start3A_237 = arith.constant 0 : i32
        %dma_start3A_238 = arith.constant 0 : i32
        %dma_start3A_239 = tpu.memref_slice %arg9[%dma_start3A_237, %dma_start3A_238] : memref<10112x128xf32, #tpu.memory_space<vmem_shared>> -> memref<10112x128xf32, #tpu.memory_space<vmem_shared>>
        tpu.enqueue_indirect_dma source(%arg7 : memref<128x128xf32, #tpu.memory_space<vmem>>) target(%dma_start3A_239 : memref<10112x128xf32, #tpu.memory_space<vmem_shared>>) offsets(%dma_start3A_236 : memref<128xi32, #tpu.memory_space<vmem>>) semaphore(%run_scoped3A_233 : memref<!tpu.dma_semaphore, #tpu.memory_space<semaphore_mem>>) {add = true}
        %dma_wait3A_240 = arith.constant 0 : i32
        %dma_wait3A_241 = tpu.memref_slice %arg6[%run_scoped3A_221, %run_scoped3A_222, %dma_wait3A_240] : memref<2x8x128xi32, #tpu.memory_space<vmem>> -> memref<1x1x128xi32, #tpu.memory_space<vmem>>
        %dma_wait3A_242 = tpu.memref_squeeze %dma_wait3A_241 : memref<1x1x128xi32, #tpu.memory_space<vmem>> -> memref<128xi32, #tpu.memory_space<vmem>>
        %dma_wait3A_243 = arith.constant 0 : i32
        %dma_wait3A_244 = arith.constant 0 : i32
        %dma_wait3A_245 = tpu.memref_slice %arg9[%dma_wait3A_243, %dma_wait3A_244] : memref<10112x128xf32, #tpu.memory_space<vmem_shared>> -> memref<10112x128xf32, #tpu.memory_space<vmem_shared>>
        tpu.wait_indirect_dma semaphore(%run_scoped3A_233 : memref<!tpu.dma_semaphore, #tpu.memory_space<semaphore_mem>>) src(%arg7 : memref<128x128xf32, #tpu.memory_space<vmem>>) dst(%dma_wait3A_245 : memref<10112x128xf32, #tpu.memory_space<vmem_shared>>)
        tpu.yield
      }) : () -> ()
      %dma_wait3A_223 = arith.constant 0 : i32
      %dma_wait3A_224 = arith.constant 7 : i32
      %dma_wait3A_225 = arith.constant 0 : i32
      %dma_wait3A_226 = tpu.memref_slice %arg6[%dma_wait3A_223, %dma_wait3A_224, %dma_wait3A_225] : memref<2x8x128xi32, #tpu.memory_space<vmem>> -> memref<1x1x128xi32, #tpu.memory_space<vmem>>
      %dma_wait3A_227 = tpu.memref_squeeze %dma_wait3A_226 : memref<1x1x128xi32, #tpu.memory_space<vmem>> -> memref<128xi32, #tpu.memory_space<vmem>>
      %dma_wait3A_228 = arith.constant 0 : i32
      %dma_wait3A_229 = arith.constant 0 : i32
      %dma_wait3A_230 = tpu.memref_slice %arg2[%dma_wait3A_228, %dma_wait3A_229] : memref<10000x128xf32, #tpu.memory_space<hbm>> -> memref<10000x128xf32, #tpu.memory_space<hbm>>
      tpu.wait_indirect_dma semaphore(%arg11 : memref<!tpu.dma_semaphore, #tpu.memory_space<semaphore_mem>>) src(%dma_wait3A_230 : memref<10000x128xf32, #tpu.memory_space<hbm>>) dst(%arg8 : memref<128x128xf32, #tpu.memory_space<vmem>>)
      %run_scoped3A_231 = arith.constant 1 : i32
      %run_scoped3A_232 = arith.constant 7 : i32
      "tpu.region"() ({
        %run_scoped3A_233 = tpu.sem_alloc : memref<!tpu.dma_semaphore, #tpu.memory_space<semaphore_mem>>
        %dma_start3A_234 = arith.constant 0 : i32
        %dma_start3A_235 = tpu.memref_slice %arg6[%run_scoped3A_231, %run_scoped3A_232, %dma_start3A_234] : memref<2x8x128xi32, #tpu.memory_space<vmem>> -> memref<1x1x128xi32, #tpu.memory_space<vmem>>
        %dma_start3A_236 = tpu.memref_squeeze %dma_start3A_235 : memref<1x1x128xi32, #tpu.memory_space<vmem>> -> memref<128xi32, #tpu.memory_space<vmem>>
        %dma_start3A_237 = arith.constant 0 : i32
        %dma_start3A_238 = arith.constant 0 : i32
        %dma_start3A_239 = tpu.memref_slice %arg9[%dma_start3A_237, %dma_start3A_238] : memref<10112x128xf32, #tpu.memory_space<vmem_shared>> -> memref<10112x128xf32, #tpu.memory_space<vmem_shared>>
        tpu.enqueue_indirect_dma source(%arg8 : memref<128x128xf32, #tpu.memory_space<vmem>>) target(%dma_start3A_239 : memref<10112x128xf32, #tpu.memory_space<vmem_shared>>) offsets(%dma_start3A_236 : memref<128xi32, #tpu.memory_space<vmem>>) semaphore(%run_scoped3A_233 : memref<!tpu.dma_semaphore, #tpu.memory_space<semaphore_mem>>) {add = true}
        %dma_wait3A_240 = arith.constant 0 : i32
        %dma_wait3A_241 = tpu.memref_slice %arg6[%run_scoped3A_231, %run_scoped3A_232, %dma_wait3A_240] : memref<2x8x128xi32, #tpu.memory_space<vmem>> -> memref<1x1x128xi32, #tpu.memory_space<vmem>>
        %dma_wait3A_242 = tpu.memref_squeeze %dma_wait3A_241 : memref<1x1x128xi32, #tpu.memory_space<vmem>> -> memref<128xi32, #tpu.memory_space<vmem>>
        %dma_wait3A_243 = arith.constant 0 : i32
        %dma_wait3A_244 = arith.constant 0 : i32
        %dma_wait3A_245 = tpu.memref_slice %arg9[%dma_wait3A_243, %dma_wait3A_244] : memref<10112x128xf32, #tpu.memory_space<vmem_shared>> -> memref<10112x128xf32, #tpu.memory_space<vmem_shared>>
        tpu.wait_indirect_dma semaphore(%run_scoped3A_233 : memref<!tpu.dma_semaphore, #tpu.memory_space<semaphore_mem>>) src(%arg8 : memref<128x128xf32, #tpu.memory_space<vmem>>) dst(%dma_wait3A_245 : memref<10112x128xf32, #tpu.memory_space<vmem_shared>>)
        tpu.yield
      }) : () -> ()
    }
    %scan3A_21 = arith.constant 10 : i32
    %barrier3A_22 = arith.constant 0 : index
    tpu.barrier barrier_id(%barrier3A_22)
    %add3A_23 = arith.constant 0 : i32
    %add3A_24 = arith.addi %mul3A_2, %add3A_23 : i32
    %add3A_25 = arith.constant 0 : i32
    %add3A_26 = arith.addi %mul3A_2, %add3A_25 : i32
    "tpu.region"() ({
      %run_scoped3A = tpu.sem_alloc : memref<!tpu.dma_semaphore, #tpu.memory_space<semaphore_mem>>
      %dma_start3A = arith.constant 0 : i32
      %dma_start3A_87 = tpu.memref_slice %arg4[%arg0, %add3A_26, %dma_start3A] : memref<2x10112x128xf32, #tpu.memory_space<hbm>> -> memref<1x128x128xf32, #tpu.memory_space<hbm>>
      %dma_start3A_88 = tpu.memref_squeeze %dma_start3A_87 : memref<1x128x128xf32, #tpu.memory_space<hbm>> -> memref<128x128xf32, #tpu.memory_space<hbm>>
      %dma_start3A_89 = arith.constant 0 : i32
      %dma_start3A_90 = tpu.memref_slice %arg9[%add3A_24, %dma_start3A_89] : memref<10112x128xf32, #tpu.memory_space<vmem_shared>> -> memref<128x128xf32, #tpu.memory_space<vmem_shared>>
      tpu.enqueue_dma source(%dma_start3A_90 : memref<128x128xf32, #tpu.memory_space<vmem_shared>>) target(%dma_start3A_88 : memref<128x128xf32, #tpu.memory_space<hbm>>) target_semaphore(%run_scoped3A : memref<!tpu.dma_semaphore, #tpu.memory_space<semaphore_mem>>)
      %dma_wait3A = arith.constant 0 : i32
      %dma_wait3A_91 = tpu.memref_slice %arg4[%arg0, %add3A_26, %dma_wait3A] : memref<2x10112x128xf32, #tpu.memory_space<hbm>> -> memref<1x128x128xf32, #tpu.memory_space<hbm>>
      %dma_wait3A_92 = tpu.memref_squeeze %dma_wait3A_91 : memref<1x128x128xf32, #tpu.memory_space<hbm>> -> memref<128x128xf32, #tpu.memory_space<hbm>>
      %dma_wait3A_93 = arith.constant 0 : i32
      %dma_wait3A_94 = tpu.memref_slice %arg9[%add3A_24, %dma_wait3A_93] : memref<10112x128xf32, #tpu.memory_space<vmem_shared>> -> memref<128x128xf32, #tpu.memory_space<vmem_shared>>
      tpu.wait_dma2 semaphore(%run_scoped3A : memref<!tpu.dma_semaphore, #tpu.memory_space<semaphore_mem>>) src(%dma_wait3A_94 : memref<128x128xf32, #tpu.memory_space<vmem_shared>>) dst(%dma_wait3A_92 : memref<128x128xf32, #tpu.memory_space<hbm>>)
      tpu.yield
    }) : () -> ()
    %add3A_27 = arith.constant 128 : i32
    %add3A_28 = arith.addi %mul3A_2, %add3A_27 : i32
    %add3A_29 = arith.constant 128 : i32
    %add3A_30 = arith.addi %mul3A_2, %add3A_29 : i32
    "tpu.region"() ({
      %run_scoped3A = tpu.sem_alloc : memref<!tpu.dma_semaphore, #tpu.memory_space<semaphore_mem>>
      %dma_start3A = arith.constant 0 : i32
      %dma_start3A_87 = tpu.memref_slice %arg4[%arg0, %add3A_30, %dma_start3A] : memref<2x10112x128xf32, #tpu.memory_space<hbm>> -> memref<1x128x128xf32, #tpu.memory_space<hbm>>
      %dma_start3A_88 = tpu.memref_squeeze %dma_start3A_87 : memref<1x128x128xf32, #tpu.memory_space<hbm>> -> memref<128x128xf32, #tpu.memory_space<hbm>>
      %dma_start3A_89 = arith.constant 0 : i32
      %dma_start3A_90 = tpu.memref_slice %arg9[%add3A_28, %dma_start3A_89] : memref<10112x128xf32, #tpu.memory_space<vmem_shared>> -> memref<128x128xf32, #tpu.memory_space<vmem_shared>>
      tpu.enqueue_dma source(%dma_start3A_90 : memref<128x128xf32, #tpu.memory_space<vmem_shared>>) target(%dma_start3A_88 : memref<128x128xf32, #tpu.memory_space<hbm>>) target_semaphore(%run_scoped3A : memref<!tpu.dma_semaphore, #tpu.memory_space<semaphore_mem>>)
      %dma_wait3A = arith.constant 0 : i32
      %dma_wait3A_91 = tpu.memref_slice %arg4[%arg0, %add3A_30, %dma_wait3A] : memref<2x10112x128xf32, #tpu.memory_space<hbm>> -> memref<1x128x128xf32, #tpu.memory_space<hbm>>
      %dma_wait3A_92 = tpu.memref_squeeze %dma_wait3A_91 : memref<1x128x128xf32, #tpu.memory_space<hbm>> -> memref<128x128xf32, #tpu.memory_space<hbm>>
      %dma_wait3A_93 = arith.constant 0 : i32
      %dma_wait3A_94 = tpu.memref_slice %arg9[%add3A_28, %dma_wait3A_93] : memref<10112x128xf32, #tpu.memory_space<vmem_shared>> -> memref<128x128xf32, #tpu.memory_space<vmem_shared>>
      tpu.wait_dma2 semaphore(%run_scoped3A : memref<!tpu.dma_semaphore, #tpu.memory_space<semaphore_mem>>) src(%dma_wait3A_94 : memref<128x128xf32, #tpu.memory_space<vmem_shared>>) dst(%dma_wait3A_92 : memref<128x128xf32, #tpu.memory_space<hbm>>)
      tpu.yield
    }) : () -> ()
    %add3A_31 = arith.constant 256 : i32
    %add3A_32 = arith.addi %mul3A_2, %add3A_31 : i32
    %add3A_33 = arith.constant 256 : i32
    %add3A_34 = arith.addi %mul3A_2, %add3A_33 : i32
    "tpu.region"() ({
      %run_scoped3A = tpu.sem_alloc : memref<!tpu.dma_semaphore, #tpu.memory_space<semaphore_mem>>
      %dma_start3A = arith.constant 0 : i32
      %dma_start3A_87 = tpu.memref_slice %arg4[%arg0, %add3A_34, %dma_start3A] : memref<2x10112x128xf32, #tpu.memory_space<hbm>> -> memref<1x128x128xf32, #tpu.memory_space<hbm>>
      %dma_start3A_88 = tpu.memref_squeeze %dma_start3A_87 : memref<1x128x128xf32, #tpu.memory_space<hbm>> -> memref<128x128xf32, #tpu.memory_space<hbm>>
      %dma_start3A_89 = arith.constant 0 : i32
      %dma_start3A_90 = tpu.memref_slice %arg9[%add3A_32, %dma_start3A_89] : memref<10112x128xf32, #tpu.memory_space<vmem_shared>> -> memref<128x128xf32, #tpu.memory_space<vmem_shared>>
      tpu.enqueue_dma source(%dma_start3A_90 : memref<128x128xf32, #tpu.memory_space<vmem_shared>>) target(%dma_start3A_88 : memref<128x128xf32, #tpu.memory_space<hbm>>) target_semaphore(%run_scoped3A : memref<!tpu.dma_semaphore, #tpu.memory_space<semaphore_mem>>)
      %dma_wait3A = arith.constant 0 : i32
      %dma_wait3A_91 = tpu.memref_slice %arg4[%arg0, %add3A_34, %dma_wait3A] : memref<2x10112x128xf32, #tpu.memory_space<hbm>> -> memref<1x128x128xf32, #tpu.memory_space<hbm>>
      %dma_wait3A_92 = tpu.memref_squeeze %dma_wait3A_91 : memref<1x128x128xf32, #tpu.memory_space<hbm>> -> memref<128x128xf32, #tpu.memory_space<hbm>>
      %dma_wait3A_93 = arith.constant 0 : i32
      %dma_wait3A_94 = tpu.memref_slice %arg9[%add3A_32, %dma_wait3A_93] : memref<10112x128xf32, #tpu.memory_space<vmem_shared>> -> memref<128x128xf32, #tpu.memory_space<vmem_shared>>
      tpu.wait_dma2 semaphore(%run_scoped3A : memref<!tpu.dma_semaphore, #tpu.memory_space<semaphore_mem>>) src(%dma_wait3A_94 : memref<128x128xf32, #tpu.memory_space<vmem_shared>>) dst(%dma_wait3A_92 : memref<128x128xf32, #tpu.memory_space<hbm>>)
      tpu.yield
    }) : () -> ()
    %add3A_35 = arith.constant 384 : i32
    %add3A_36 = arith.addi %mul3A_2, %add3A_35 : i32
    %add3A_37 = arith.constant 384 : i32
    %add3A_38 = arith.addi %mul3A_2, %add3A_37 : i32
    "tpu.region"() ({
      %run_scoped3A = tpu.sem_alloc : memref<!tpu.dma_semaphore, #tpu.memory_space<semaphore_mem>>
      %dma_start3A = arith.constant 0 : i32
      %dma_start3A_87 = tpu.memref_slice %arg4[%arg0, %add3A_38, %dma_start3A] : memref<2x10112x128xf32, #tpu.memory_space<hbm>> -> memref<1x128x128xf32, #tpu.memory_space<hbm>>
      %dma_start3A_88 = tpu.memref_squeeze %dma_start3A_87 : memref<1x128x128xf32, #tpu.memory_space<hbm>> -> memref<128x128xf32, #tpu.memory_space<hbm>>
      %dma_start3A_89 = arith.constant 0 : i32
      %dma_start3A_90 = tpu.memref_slice %arg9[%add3A_36, %dma_start3A_89] : memref<10112x128xf32, #tpu.memory_space<vmem_shared>> -> memref<128x128xf32, #tpu.memory_space<vmem_shared>>
      tpu.enqueue_dma source(%dma_start3A_90 : memref<128x128xf32, #tpu.memory_space<vmem_shared>>) target(%dma_start3A_88 : memref<128x128xf32, #tpu.memory_space<hbm>>) target_semaphore(%run_scoped3A : memref<!tpu.dma_semaphore, #tpu.memory_space<semaphore_mem>>)
      %dma_wait3A = arith.constant 0 : i32
      %dma_wait3A_91 = tpu.memref_slice %arg4[%arg0, %add3A_38, %dma_wait3A] : memref<2x10112x128xf32, #tpu.memory_space<hbm>> -> memref<1x128x128xf32, #tpu.memory_space<hbm>>
      %dma_wait3A_92 = tpu.memref_squeeze %dma_wait3A_91 : memref<1x128x128xf32, #tpu.memory_space<hbm>> -> memref<128x128xf32, #tpu.memory_space<hbm>>
      %dma_wait3A_93 = arith.constant 0 : i32
      %dma_wait3A_94 = tpu.memref_slice %arg9[%add3A_36, %dma_wait3A_93] : memref<10112x128xf32, #tpu.memory_space<vmem_shared>> -> memref<128x128xf32, #tpu.memory_space<vmem_shared>>
      tpu.wait_dma2 semaphore(%run_scoped3A : memref<!tpu.dma_semaphore, #tpu.memory_space<semaphore_mem>>) src(%dma_wait3A_94 : memref<128x128xf32, #tpu.memory_space<vmem_shared>>) dst(%dma_wait3A_92 : memref<128x128xf32, #tpu.memory_space<hbm>>)
      tpu.yield
    }) : () -> ()
    %add3A_39 = arith.constant 512 : i32
    %add3A_40 = arith.addi %mul3A_2, %add3A_39 : i32
    "tpu.region"() ({
      %run_scoped3A = tpu.sem_alloc : memref<!tpu.dma_semaphore, #tpu.memory_space<semaphore_mem>>
      %dma_start3A = arith.constant 0 : i32
      %dma_start3A_87 = tpu.memref_slice %arg4[%arg0, %add3A_40, %dma_start3A] : memref<2x10112x128xf32, #tpu.memory_space<hbm>> -> memref<1x120x128xf32, #tpu.memory_space<hbm>>
      %dma_start3A_88 = tpu.memref_squeeze %dma_start3A_87 : memref<1x120x128xf32, #tpu.memory_space<hbm>> -> memref<120x128xf32, #tpu.memory_space<hbm>>
      %dma_start3A_89 = arith.constant 0 : i32
      %dma_start3A_90 = tpu.memref_slice %arg9[%add3A_40, %dma_start3A_89] : memref<10112x128xf32, #tpu.memory_space<vmem_shared>> -> memref<120x128xf32, #tpu.memory_space<vmem_shared>>
      tpu.enqueue_dma source(%dma_start3A_90 : memref<120x128xf32, #tpu.memory_space<vmem_shared>>) target(%dma_start3A_88 : memref<120x128xf32, #tpu.memory_space<hbm>>) target_semaphore(%run_scoped3A : memref<!tpu.dma_semaphore, #tpu.memory_space<semaphore_mem>>)
      %dma_wait3A = arith.constant 0 : i32
      %dma_wait3A_91 = tpu.memref_slice %arg4[%arg0, %add3A_40, %dma_wait3A] : memref<2x10112x128xf32, #tpu.memory_space<hbm>> -> memref<1x120x128xf32, #tpu.memory_space<hbm>>
      %dma_wait3A_92 = tpu.memref_squeeze %dma_wait3A_91 : memref<1x120x128xf32, #tpu.memory_space<hbm>> -> memref<120x128xf32, #tpu.memory_space<hbm>>
      %dma_wait3A_93 = arith.constant 0 : i32
      %dma_wait3A_94 = tpu.memref_slice %arg9[%add3A_40, %dma_wait3A_93] : memref<10112x128xf32, #tpu.memory_space<vmem_shared>> -> memref<120x128xf32, #tpu.memory_space<vmem_shared>>
      tpu.wait_dma2 semaphore(%run_scoped3A : memref<!tpu.dma_semaphore, #tpu.memory_space<semaphore_mem>>) src(%dma_wait3A_94 : memref<120x128xf32, #tpu.memory_space<vmem_shared>>) dst(%dma_wait3A_92 : memref<120x128xf32, #tpu.memory_space<hbm>>)
      tpu.yield
    }) : () -> ()
    %barrier3A_41 = arith.constant 0 : index
    tpu.barrier barrier_id(%barrier3A_41)
    %scan3A_42 = arith.constant 0 : i32
    %scan3A_43 = arith.constant 128 : i32
    %scan3A_44 = arith.addi %scan3A_42, %scan3A_43 : i32
    %scan3A_45 = arith.constant 1 : i32
    scf.for %scan3A_87 = %scan3A_42 to %scan3A_44 step %scan3A_45  : i32 {
      %mul3A_88 = arith.constant 1 : i32
      %mul3A_89 = arith.muli %scan3A_87, %mul3A_88 : i32
      %add3A_90 = arith.constant 0 : i32
      %add3A_91 = arith.addi %add3A_90, %mul3A_89 : i32
      %broadcast_in_dim3A = arith.constant 0.000000e+00 : f32
      %broadcast_in_dim3A_92 = vector.broadcast %broadcast_in_dim3A : f32 to vector<16xf32>
      %add3A_93 = arith.constant 0.000000e+00 : f32
      %add3A_94 = vector.broadcast %add3A_93 : f32 to vector<16xf32>
      %add3A_95 = arith.addf %broadcast_in_dim3A_92, %add3A_94 : vector<16xf32>
      %swap3A = arith.index_cast %add3A_91 : i32 to index
      %swap3A_96 = arith.constant 0 : index
      %swap3A_97 = tpu.vector_load %arg7[%swap3A, %swap3A_96] {strides = array<i32>} : memref<128x128xf32, #tpu.memory_space<vmem>>, vector<1x16xf32>,
      %swap3A_98 = vector.shape_cast %swap3A_97 : vector<1x16xf32> to vector<16xf32>
      %swap3A_99 = vector.shape_cast %add3A_95 : vector<16xf32> to vector<1x16xf32>
      tpu.vector_store %arg7[%swap3A, %swap3A_96], %swap3A_99 {strides = array<i32>} : memref<128x128xf32, #tpu.memory_space<vmem>>, vector<1x16xf32>,
      %swap3A_100 = arith.index_cast %add3A_91 : i32 to index
      %swap3A_101 = arith.constant 16 : index
      %swap3A_102 = tpu.vector_load %arg7[%swap3A_100, %swap3A_101] {strides = array<i32>} : memref<128x128xf32, #tpu.memory_space<vmem>>, vector<1x16xf32>,
      %swap3A_103 = vector.shape_cast %swap3A_102 : vector<1x16xf32> to vector<16xf32>
      %swap3A_104 = vector.shape_cast %add3A_95 : vector<16xf32> to vector<1x16xf32>
      tpu.vector_store %arg7[%swap3A_100, %swap3A_101], %swap3A_104 {strides = array<i32>} : memref<128x128xf32, #tpu.memory_space<vmem>>, vector<1x16xf32>,
      %swap3A_105 = arith.index_cast %add3A_91 : i32 to index
      %swap3A_106 = arith.constant 32 : index
      %swap3A_107 = tpu.vector_load %arg7[%swap3A_105, %swap3A_106] {strides = array<i32>} : memref<128x128xf32, #tpu.memory_space<vmem>>, vector<1x16xf32>,
      %swap3A_108 = vector.shape_cast %swap3A_107 : vector<1x16xf32> to vector<16xf32>
      %swap3A_109 = vector.shape_cast %add3A_95 : vector<16xf32> to vector<1x16xf32>
      tpu.vector_store %arg7[%swap3A_105, %swap3A_106], %swap3A_109 {strides = array<i32>} : memref<128x128xf32, #tpu.memory_space<vmem>>, vector<1x16xf32>,
      %swap3A_110 = arith.index_cast %add3A_91 : i32 to index
      %swap3A_111 = arith.constant 48 : index
      %swap3A_112 = tpu.vector_load %arg7[%swap3A_110, %swap3A_111] {strides = array<i32>} : memref<128x128xf32, #tpu.memory_space<vmem>>, vector<1x16xf32>,
      %swap3A_113 = vector.shape_cast %swap3A_112 : vector<1x16xf32> to vector<16xf32>
      %swap3A_114 = vector.shape_cast %add3A_95 : vector<16xf32> to vector<1x16xf32>
      tpu.vector_store %arg7[%swap3A_110, %swap3A_111], %swap3A_114 {strides = array<i32>} : memref<128x128xf32, #tpu.memory_space<vmem>>, vector<1x16xf32>,
      %swap3A_115 = arith.index_cast %add3A_91 : i32 to index
      %swap3A_116 = arith.constant 64 : index
      %swap3A_117 = tpu.vector_load %arg7[%swap3A_115, %swap3A_116] {strides = array<i32>} : memref<128x128xf32, #tpu.memory_space<vmem>>, vector<1x16xf32>,
      %swap3A_118 = vector.shape_cast %swap3A_117 : vector<1x16xf32> to vector<16xf32>
      %swap3A_119 = vector.shape_cast %add3A_95 : vector<16xf32> to vector<1x16xf32>
      tpu.vector_store %arg7[%swap3A_115, %swap3A_116], %swap3A_119 {strides = array<i32>} : memref<128x128xf32, #tpu.memory_space<vmem>>, vector<1x16xf32>,
      %swap3A_120 = arith.index_cast %add3A_91 : i32 to index
      %swap3A_121 = arith.constant 80 : index
      %swap3A_122 = tpu.vector_load %arg7[%swap3A_120, %swap3A_121] {strides = array<i32>} : memref<128x128xf32, #tpu.memory_space<vmem>>, vector<1x16xf32>,
      %swap3A_123 = vector.shape_cast %swap3A_122 : vector<1x16xf32> to vector<16xf32>
      %swap3A_124 = vector.shape_cast %add3A_95 : vector<16xf32> to vector<1x16xf32>
      tpu.vector_store %arg7[%swap3A_120, %swap3A_121], %swap3A_124 {strides = array<i32>} : memref<128x128xf32, #tpu.memory_space<vmem>>, vector<1x16xf32>,
      %swap3A_125 = arith.index_cast %add3A_91 : i32 to index
      %swap3A_126 = arith.constant 96 : index
      %swap3A_127 = tpu.vector_load %arg7[%swap3A_125, %swap3A_126] {strides = array<i32>} : memref<128x128xf32, #tpu.memory_space<vmem>>, vector<1x16xf32>,
      %swap3A_128 = vector.shape_cast %swap3A_127 : vector<1x16xf32> to vector<16xf32>
      %swap3A_129 = vector.shape_cast %add3A_95 : vector<16xf32> to vector<1x16xf32>
      tpu.vector_store %arg7[%swap3A_125, %swap3A_126], %swap3A_129 {strides = array<i32>} : memref<128x128xf32, #tpu.memory_space<vmem>>, vector<1x16xf32>,
      %swap3A_130 = arith.index_cast %add3A_91 : i32 to index
      %swap3A_131 = arith.constant 112 : index
      %swap3A_132 = tpu.vector_load %arg7[%swap3A_130, %swap3A_131] {strides = array<i32>} : memref<128x128xf32, #tpu.memory_space<vmem>>, vector<1x16xf32>,
      %swap3A_133 = vector.shape_cast %swap3A_132 : vector<1x16xf32> to vector<16xf32>
      %swap3A_134 = vector.shape_cast %add3A_95 : vector<16xf32> to vector<1x16xf32>
      tpu.vector_store %arg7[%swap3A_130, %swap3A_131], %swap3A_134 {strides = array<i32>} : memref<128x128xf32, #tpu.memory_space<vmem>>, vector<1x16xf32>,
    }
    %scan3A_46 = arith.constant 128 : i32
    %add3A_47 = arith.constant 0 : i32
    %add3A_48 = arith.addi %mul3A_2, %add3A_47 : i32
    "tpu.region"() ({
      %run_scoped3A = tpu.sem_alloc : memref<!tpu.dma_semaphore, #tpu.memory_space<semaphore_mem>>
      %dma_start3A = arith.constant 0 : i32
      %dma_start3A_87 = tpu.memref_slice %arg9[%add3A_48, %dma_start3A] : memref<10112x128xf32, #tpu.memory_space<vmem_shared>> -> memref<128x128xf32, #tpu.memory_space<vmem_shared>>
      %dma_start3A_88 = arith.constant 0 : i32
      %dma_start3A_89 = tpu.memref_slice %arg9[%add3A_48, %dma_start3A_88] : memref<10112x128xf32, #tpu.memory_space<vmem_shared>> -> memref<128x128xf32, #tpu.memory_space<vmem_shared>>
      tpu.enqueue_dma source(%arg7 : memref<128x128xf32, #tpu.memory_space<vmem>>) target(%dma_start3A_89 : memref<128x128xf32, #tpu.memory_space<vmem_shared>>) target_semaphore(%run_scoped3A : memref<!tpu.dma_semaphore, #tpu.memory_space<semaphore_mem>>)
      %dma_wait3A = arith.constant 0 : i32
      %dma_wait3A_90 = tpu.memref_slice %arg9[%add3A_48, %dma_wait3A] : memref<10112x128xf32, #tpu.memory_space<vmem_shared>> -> memref<128x128xf32, #tpu.memory_space<vmem_shared>>
      %dma_wait3A_91 = arith.constant 0 : i32
      %dma_wait3A_92 = tpu.memref_slice %arg9[%add3A_48, %dma_wait3A_91] : memref<10112x128xf32, #tpu.memory_space<vmem_shared>> -> memref<128x128xf32, #tpu.memory_space<vmem_shared>>
      tpu.wait_dma2 semaphore(%run_scoped3A : memref<!tpu.dma_semaphore, #tpu.memory_space<semaphore_mem>>) src(%arg7 : memref<128x128xf32, #tpu.memory_space<vmem>>) dst(%dma_wait3A_92 : memref<128x128xf32, #tpu.memory_space<vmem_shared>>)
      tpu.yield
    }) : () -> ()
    %add3A_49 = arith.constant 128 : i32
    %add3A_50 = arith.addi %mul3A_2, %add3A_49 : i32
    "tpu.region"() ({
      %run_scoped3A = tpu.sem_alloc : memref<!tpu.dma_semaphore, #tpu.memory_space<semaphore_mem>>
      %dma_start3A = arith.constant 0 : i32
      %dma_start3A_87 = tpu.memref_slice %arg9[%add3A_50, %dma_start3A] : memref<10112x128xf32, #tpu.memory_space<vmem_shared>> -> memref<128x128xf32, #tpu.memory_space<vmem_shared>>
      %dma_start3A_88 = arith.constant 0 : i32
      %dma_start3A_89 = tpu.memref_slice %arg9[%add3A_50, %dma_start3A_88] : memref<10112x128xf32, #tpu.memory_space<vmem_shared>> -> memref<128x128xf32, #tpu.memory_space<vmem_shared>>
      tpu.enqueue_dma source(%arg7 : memref<128x128xf32, #tpu.memory_space<vmem>>) target(%dma_start3A_89 : memref<128x128xf32, #tpu.memory_space<vmem_shared>>) target_semaphore(%run_scoped3A : memref<!tpu.dma_semaphore, #tpu.memory_space<semaphore_mem>>)
      %dma_wait3A = arith.constant 0 : i32
      %dma_wait3A_90 = tpu.memref_slice %arg9[%add3A_50, %dma_wait3A] : memref<10112x128xf32, #tpu.memory_space<vmem_shared>> -> memref<128x128xf32, #tpu.memory_space<vmem_shared>>
      %dma_wait3A_91 = arith.constant 0 : i32
      %dma_wait3A_92 = tpu.memref_slice %arg9[%add3A_50, %dma_wait3A_91] : memref<10112x128xf32, #tpu.memory_space<vmem_shared>> -> memref<128x128xf32, #tpu.memory_space<vmem_shared>>
      tpu.wait_dma2 semaphore(%run_scoped3A : memref<!tpu.dma_semaphore, #tpu.memory_space<semaphore_mem>>) src(%arg7 : memref<128x128xf32, #tpu.memory_space<vmem>>) dst(%dma_wait3A_92 : memref<128x128xf32, #tpu.memory_space<vmem_shared>>)
      tpu.yield
    }) : () -> ()
    %add3A_51 = arith.constant 256 : i32
    %add3A_52 = arith.addi %mul3A_2, %add3A_51 : i32
    "tpu.region"() ({
      %run_scoped3A = tpu.sem_alloc : memref<!tpu.dma_semaphore, #tpu.memory_space<semaphore_mem>>
      %dma_start3A = arith.constant 0 : i32
      %dma_start3A_87 = tpu.memref_slice %arg9[%add3A_52, %dma_start3A] : memref<10112x128xf32, #tpu.memory_space<vmem_shared>> -> memref<128x128xf32, #tpu.memory_space<vmem_shared>>
      %dma_start3A_88 = arith.constant 0 : i32
      %dma_start3A_89 = tpu.memref_slice %arg9[%add3A_52, %dma_start3A_88] : memref<10112x128xf32, #tpu.memory_space<vmem_shared>> -> memref<128x128xf32, #tpu.memory_space<vmem_shared>>
      tpu.enqueue_dma source(%arg7 : memref<128x128xf32, #tpu.memory_space<vmem>>) target(%dma_start3A_89 : memref<128x128xf32, #tpu.memory_space<vmem_shared>>) target_semaphore(%run_scoped3A : memref<!tpu.dma_semaphore, #tpu.memory_space<semaphore_mem>>)
      %dma_wait3A = arith.constant 0 : i32
      %dma_wait3A_90 = tpu.memref_slice %arg9[%add3A_52, %dma_wait3A] : memref<10112x128xf32, #tpu.memory_space<vmem_shared>> -> memref<128x128xf32, #tpu.memory_space<vmem_shared>>
      %dma_wait3A_91 = arith.constant 0 : i32
      %dma_wait3A_92 = tpu.memref_slice %arg9[%add3A_52, %dma_wait3A_91] : memref<10112x128xf32, #tpu.memory_space<vmem_shared>> -> memref<128x128xf32, #tpu.memory_space<vmem_shared>>
      tpu.wait_dma2 semaphore(%run_scoped3A : memref<!tpu.dma_semaphore, #tpu.memory_space<semaphore_mem>>) src(%arg7 : memref<128x128xf32, #tpu.memory_space<vmem>>) dst(%dma_wait3A_92 : memref<128x128xf32, #tpu.memory_space<vmem_shared>>)
      tpu.yield
    }) : () -> ()
    %add3A_53 = arith.constant 384 : i32
    %add3A_54 = arith.addi %mul3A_2, %add3A_53 : i32
    "tpu.region"() ({
      %run_scoped3A = tpu.sem_alloc : memref<!tpu.dma_semaphore, #tpu.memory_space<semaphore_mem>>
      %dma_start3A = arith.constant 0 : i32
      %dma_start3A_87 = tpu.memref_slice %arg9[%add3A_54, %dma_start3A] : memref<10112x128xf32, #tpu.memory_space<vmem_shared>> -> memref<128x128xf32, #tpu.memory_space<vmem_shared>>
      %dma_start3A_88 = arith.constant 0 : i32
      %dma_start3A_89 = tpu.memref_slice %arg9[%add3A_54, %dma_start3A_88] : memref<10112x128xf32, #tpu.memory_space<vmem_shared>> -> memref<128x128xf32, #tpu.memory_space<vmem_shared>>
      tpu.enqueue_dma source(%arg7 : memref<128x128xf32, #tpu.memory_space<vmem>>) target(%dma_start3A_89 : memref<128x128xf32, #tpu.memory_space<vmem_shared>>) target_semaphore(%run_scoped3A : memref<!tpu.dma_semaphore, #tpu.memory_space<semaphore_mem>>)
      %dma_wait3A = arith.constant 0 : i32
      %dma_wait3A_90 = tpu.memref_slice %arg9[%add3A_54, %dma_wait3A] : memref<10112x128xf32, #tpu.memory_space<vmem_shared>> -> memref<128x128xf32, #tpu.memory_space<vmem_shared>>
      %dma_wait3A_91 = arith.constant 0 : i32
      %dma_wait3A_92 = tpu.memref_slice %arg9[%add3A_54, %dma_wait3A_91] : memref<10112x128xf32, #tpu.memory_space<vmem_shared>> -> memref<128x128xf32, #tpu.memory_space<vmem_shared>>
      tpu.wait_dma2 semaphore(%run_scoped3A : memref<!tpu.dma_semaphore, #tpu.memory_space<semaphore_mem>>) src(%arg7 : memref<128x128xf32, #tpu.memory_space<vmem>>) dst(%dma_wait3A_92 : memref<128x128xf32, #tpu.memory_space<vmem_shared>>)
      tpu.yield
    }) : () -> ()
    %add3A_55 = arith.constant 512 : i32
    %add3A_56 = arith.addi %mul3A_2, %add3A_55 : i32
    "tpu.region"() ({
      %run_scoped3A = tpu.sem_alloc : memref<!tpu.dma_semaphore, #tpu.memory_space<semaphore_mem>>
      %dma_start3A = arith.constant 0 : i32
      %dma_start3A_87 = arith.constant 0 : i32
      %dma_start3A_88 = tpu.memref_slice %arg7[%dma_start3A, %dma_start3A_87] : memref<128x128xf32, #tpu.memory_space<vmem>> -> memref<120x128xf32, #tpu.memory_space<vmem>>
      %dma_start3A_89 = arith.constant 0 : i32
      %dma_start3A_90 = tpu.memref_slice %arg9[%add3A_56, %dma_start3A_89] : memref<10112x128xf32, #tpu.memory_space<vmem_shared>> -> memref<120x128xf32, #tpu.memory_space<vmem_shared>>
      %dma_start3A_91 = arith.constant 0 : i32
      %dma_start3A_92 = tpu.memref_slice %arg9[%add3A_56, %dma_start3A_91] : memref<10112x128xf32, #tpu.memory_space<vmem_shared>> -> memref<120x128xf32, #tpu.memory_space<vmem_shared>>
      %dma_start3A_93 = arith.constant 0 : i32
      %dma_start3A_94 = arith.constant 0 : i32
      %dma_start3A_95 = tpu.memref_slice %arg7[%dma_start3A_93, %dma_start3A_94] : memref<128x128xf32, #tpu.memory_space<vmem>> -> memref<120x128xf32, #tpu.memory_space<vmem>>
      tpu.enqueue_dma source(%dma_start3A_95 : memref<120x128xf32, #tpu.memory_space<vmem>>) target(%dma_start3A_92 : memref<120x128xf32, #tpu.memory_space<vmem_shared>>) target_semaphore(%run_scoped3A : memref<!tpu.dma_semaphore, #tpu.memory_space<semaphore_mem>>)
      %dma_wait3A = arith.constant 0 : i32
      %dma_wait3A_96 = arith.constant 0 : i32
      %dma_wait3A_97 = tpu.memref_slice %arg7[%dma_wait3A, %dma_wait3A_96] : memref<128x128xf32, #tpu.memory_space<vmem>> -> memref<120x128xf32, #tpu.memory_space<vmem>>
      %dma_wait3A_98 = arith.constant 0 : i32
      %dma_wait3A_99 = tpu.memref_slice %arg9[%add3A_56, %dma_wait3A_98] : memref<10112x128xf32, #tpu.memory_space<vmem_shared>> -> memref<120x128xf32, #tpu.memory_space<vmem_shared>>
      %dma_wait3A_100 = arith.constant 0 : i32
      %dma_wait3A_101 = tpu.memref_slice %arg9[%add3A_56, %dma_wait3A_100] : memref<10112x128xf32, #tpu.memory_space<vmem_shared>> -> memref<120x128xf32, #tpu.memory_space<vmem_shared>>
      %dma_wait3A_102 = arith.constant 0 : i32
      %dma_wait3A_103 = arith.constant 0 : i32
      %dma_wait3A_104 = tpu.memref_slice %arg7[%dma_wait3A_102, %dma_wait3A_103] : memref<128x128xf32, #tpu.memory_space<vmem>> -> memref<120x128xf32, #tpu.memory_space<vmem>>
      tpu.wait_dma2 semaphore(%run_scoped3A : memref<!tpu.dma_semaphore, #tpu.memory_space<semaphore_mem>>) src(%dma_wait3A_104 : memref<120x128xf32, #tpu.memory_space<vmem>>) dst(%dma_wait3A_101 : memref<120x128xf32, #tpu.memory_space<vmem_shared>>)
      tpu.yield
    }) : () -> ()
    %scan3A_57 = arith.constant 0 : i32
    %scan3A_58 = arith.constant 128 : i32
    %scan3A_59 = arith.addi %scan3A_57, %scan3A_58 : i32
    %scan3A_60 = arith.constant 1 : i32
    scf.for %scan3A_87 = %scan3A_57 to %scan3A_59 step %scan3A_60  : i32 {
      %mul3A_88 = arith.constant 1 : i32
      %mul3A_89 = arith.muli %scan3A_87, %mul3A_88 : i32
      %add3A_90 = arith.constant 0 : i32
      %add3A_91 = arith.addi %add3A_90, %mul3A_89 : i32
      %broadcast_in_dim3A = arith.constant 0.000000e+00 : f32
      %broadcast_in_dim3A_92 = vector.broadcast %broadcast_in_dim3A : f32 to vector<16xf32>
      %add3A_93 = arith.constant 1.000000e+00 : f32
      %add3A_94 = vector.broadcast %add3A_93 : f32 to vector<16xf32>
      %add3A_95 = arith.addf %broadcast_in_dim3A_92, %add3A_94 : vector<16xf32>
      %swap3A = arith.index_cast %add3A_91 : i32 to index
      %swap3A_96 = arith.constant 0 : index
      %swap3A_97 = tpu.vector_load %arg7[%swap3A, %swap3A_96] {strides = array<i32>} : memref<128x128xf32, #tpu.memory_space<vmem>>, vector<1x16xf32>,
      %swap3A_98 = vector.shape_cast %swap3A_97 : vector<1x16xf32> to vector<16xf32>
      %swap3A_99 = vector.shape_cast %add3A_95 : vector<16xf32> to vector<1x16xf32>
      tpu.vector_store %arg7[%swap3A, %swap3A_96], %swap3A_99 {strides = array<i32>} : memref<128x128xf32, #tpu.memory_space<vmem>>, vector<1x16xf32>,
      %swap3A_100 = arith.index_cast %add3A_91 : i32 to index
      %swap3A_101 = arith.constant 16 : index
      %swap3A_102 = tpu.vector_load %arg7[%swap3A_100, %swap3A_101] {strides = array<i32>} : memref<128x128xf32, #tpu.memory_space<vmem>>, vector<1x16xf32>,
      %swap3A_103 = vector.shape_cast %swap3A_102 : vector<1x16xf32> to vector<16xf32>
      %swap3A_104 = vector.shape_cast %add3A_95 : vector<16xf32> to vector<1x16xf32>
      tpu.vector_store %arg7[%swap3A_100, %swap3A_101], %swap3A_104 {strides = array<i32>} : memref<128x128xf32, #tpu.memory_space<vmem>>, vector<1x16xf32>,
      %swap3A_105 = arith.index_cast %add3A_91 : i32 to index
      %swap3A_106 = arith.constant 32 : index
      %swap3A_107 = tpu.vector_load %arg7[%swap3A_105, %swap3A_106] {strides = array<i32>} : memref<128x128xf32, #tpu.memory_space<vmem>>, vector<1x16xf32>,
      %swap3A_108 = vector.shape_cast %swap3A_107 : vector<1x16xf32> to vector<16xf32>
      %swap3A_109 = vector.shape_cast %add3A_95 : vector<16xf32> to vector<1x16xf32>
      tpu.vector_store %arg7[%swap3A_105, %swap3A_106], %swap3A_109 {strides = array<i32>} : memref<128x128xf32, #tpu.memory_space<vmem>>, vector<1x16xf32>,
      %swap3A_110 = arith.index_cast %add3A_91 : i32 to index
      %swap3A_111 = arith.constant 48 : index
      %swap3A_112 = tpu.vector_load %arg7[%swap3A_110, %swap3A_111] {strides = array<i32>} : memref<128x128xf32, #tpu.memory_space<vmem>>, vector<1x16xf32>,
      %swap3A_113 = vector.shape_cast %swap3A_112 : vector<1x16xf32> to vector<16xf32>
      %swap3A_114 = vector.shape_cast %add3A_95 : vector<16xf32> to vector<1x16xf32>
      tpu.vector_store %arg7[%swap3A_110, %swap3A_111], %swap3A_114 {strides = array<i32>} : memref<128x128xf32, #tpu.memory_space<vmem>>, vector<1x16xf32>,
      %swap3A_115 = arith.index_cast %add3A_91 : i32 to index
      %swap3A_116 = arith.constant 64 : index
      %swap3A_117 = tpu.vector_load %arg7[%swap3A_115, %swap3A_116] {strides = array<i32>} : memref<128x128xf32, #tpu.memory_space<vmem>>, vector<1x16xf32>,
      %swap3A_118 = vector.shape_cast %swap3A_117 : vector<1x16xf32> to vector<16xf32>
      %swap3A_119 = vector.shape_cast %add3A_95 : vector<16xf32> to vector<1x16xf32>
      tpu.vector_store %arg7[%swap3A_115, %swap3A_116], %swap3A_119 {strides = array<i32>} : memref<128x128xf32, #tpu.memory_space<vmem>>, vector<1x16xf32>,
      %swap3A_120 = arith.index_cast %add3A_91 : i32 to index
      %swap3A_121 = arith.constant 80 : index
      %swap3A_122 = tpu.vector_load %arg7[%swap3A_120, %swap3A_121] {strides = array<i32>} : memref<128x128xf32, #tpu.memory_space<vmem>>, vector<1x16xf32>,
      %swap3A_123 = vector.shape_cast %swap3A_122 : vector<1x16xf32> to vector<16xf32>
      %swap3A_124 = vector.shape_cast %add3A_95 : vector<16xf32> to vector<1x16xf32>
      tpu.vector_store %arg7[%swap3A_120, %swap3A_121], %swap3A_124 {strides = array<i32>} : memref<128x128xf32, #tpu.memory_space<vmem>>, vector<1x16xf32>,
      %swap3A_125 = arith.index_cast %add3A_91 : i32 to index
      %swap3A_126 = arith.constant 96 : index
      %swap3A_127 = tpu.vector_load %arg7[%swap3A_125, %swap3A_126] {strides = array<i32>} : memref<128x128xf32, #tpu.memory_space<vmem>>, vector<1x16xf32>,
      %swap3A_128 = vector.shape_cast %swap3A_127 : vector<1x16xf32> to vector<16xf32>
      %swap3A_129 = vector.shape_cast %add3A_95 : vector<16xf32> to vector<1x16xf32>
      tpu.vector_store %arg7[%swap3A_125, %swap3A_126], %swap3A_129 {strides = array<i32>} : memref<128x128xf32, #tpu.memory_space<vmem>>, vector<1x16xf32>,
      %swap3A_130 = arith.index_cast %add3A_91 : i32 to index
      %swap3A_131 = arith.constant 112 : index
      %swap3A_132 = tpu.vector_load %arg7[%swap3A_130, %swap3A_131] {strides = array<i32>} : memref<128x128xf32, #tpu.memory_space<vmem>>, vector<1x16xf32>,
      %swap3A_133 = vector.shape_cast %swap3A_132 : vector<1x16xf32> to vector<16xf32>
      %swap3A_134 = vector.shape_cast %add3A_95 : vector<16xf32> to vector<1x16xf32>
      tpu.vector_store %arg7[%swap3A_130, %swap3A_131], %swap3A_134 {strides = array<i32>} : memref<128x128xf32, #tpu.memory_space<vmem>>, vector<1x16xf32>,
    }
    %scan3A_61 = arith.constant 128 : i32
    %barrier3A_62 = arith.constant 0 : index
    tpu.barrier barrier_id(%barrier3A_62)
    %scan3A_63 = arith.constant 0 : i32
    %scan3A_64 = arith.constant 10 : i32
    %scan3A_65 = arith.addi %scan3A_63, %scan3A_64 : i32
    %scan3A_66 = arith.constant 1 : i32
    scf.for %scan3A_87 = %scan3A_63 to %scan3A_65 step %scan3A_66  : i32 {
      %mul3A_88 = arith.constant 1 : i32
      %mul3A_89 = arith.muli %scan3A_87, %mul3A_88 : i32
      %add3A_90 = arith.constant 0 : i32
      %add3A_91 = arith.addi %add3A_90, %mul3A_89 : i32
      "tpu.region"() ({
        %run_scoped3A_107 = tpu.sem_alloc : memref<!tpu.dma_semaphore, #tpu.memory_space<semaphore_mem>>
        %dma_start3A = arith.constant 0 : i32
        %dma_start3A_108 = arith.constant 0 : i32
        %dma_start3A_109 = arith.constant 0 : i32
        %dma_start3A_110 = tpu.memref_slice %arg3[%add3A, %add3A_91, %dma_start3A, %dma_start3A_108, %dma_start3A_109] : memref<32x10x2x8x128xi32, #tpu.memory_space<hbm>> -> memref<1x1x2x8x128xi32, #tpu.memory_space<hbm>>
        %dma_start3A_111 = tpu.memref_squeeze %dma_start3A_110 : memref<1x1x2x8x128xi32, #tpu.memory_space<hbm>> -> memref<2x8x128xi32, #tpu.memory_space<hbm>>
        %dma_start3A_112 = arith.constant 0 : i32
        %dma_start3A_113 = arith.constant 0 : i32
        %dma_start3A_114 = arith.constant 0 : i32
        %dma_start3A_115 = tpu.memref_slice %arg3[%add3A, %add3A_91, %dma_start3A_112, %dma_start3A_113, %dma_start3A_114] : memref<32x10x2x8x128xi32, #tpu.memory_space<hbm>> -> memref<1x1x2x8x128xi32, #tpu.memory_space<hbm>>
        %dma_start3A_116 = tpu.memref_squeeze %dma_start3A_115 : memref<1x1x2x8x128xi32, #tpu.memory_space<hbm>> -> memref<2x8x128xi32, #tpu.memory_space<hbm>>
        tpu.enqueue_dma source(%dma_start3A_116 : memref<2x8x128xi32, #tpu.memory_space<hbm>>) target(%arg6 : memref<2x8x128xi32, #tpu.memory_space<vmem>>) target_semaphore(%run_scoped3A_107 : memref<!tpu.dma_semaphore, #tpu.memory_space<semaphore_mem>>)
        %dma_wait3A = arith.constant 0 : i32
        %dma_wait3A_117 = arith.constant 0 : i32
        %dma_wait3A_118 = arith.constant 0 : i32
        %dma_wait3A_119 = tpu.memref_slice %arg3[%add3A, %add3A_91, %dma_wait3A, %dma_wait3A_117, %dma_wait3A_118] : memref<32x10x2x8x128xi32, #tpu.memory_space<hbm>> -> memref<1x1x2x8x128xi32, #tpu.memory_space<hbm>>
        %dma_wait3A_120 = tpu.memref_squeeze %dma_wait3A_119 : memref<1x1x2x8x128xi32, #tpu.memory_space<hbm>> -> memref<2x8x128xi32, #tpu.memory_space<hbm>>
        %dma_wait3A_121 = arith.constant 0 : i32
        %dma_wait3A_122 = arith.constant 0 : i32
        %dma_wait3A_123 = arith.constant 0 : i32
        %dma_wait3A_124 = tpu.memref_slice %arg3[%add3A, %add3A_91, %dma_wait3A_121, %dma_wait3A_122, %dma_wait3A_123] : memref<32x10x2x8x128xi32, #tpu.memory_space<hbm>> -> memref<1x1x2x8x128xi32, #tpu.memory_space<hbm>>
        %dma_wait3A_125 = tpu.memref_squeeze %dma_wait3A_124 : memref<1x1x2x8x128xi32, #tpu.memory_space<hbm>> -> memref<2x8x128xi32, #tpu.memory_space<hbm>>
        tpu.wait_dma2 semaphore(%run_scoped3A_107 : memref<!tpu.dma_semaphore, #tpu.memory_space<semaphore_mem>>) src(%dma_wait3A_125 : memref<2x8x128xi32, #tpu.memory_space<hbm>>) dst(%arg6 : memref<2x8x128xi32, #tpu.memory_space<vmem>>)
        tpu.yield
      }) : () -> ()
      %run_scoped3A = arith.constant 1 : i32
      %run_scoped3A_92 = arith.constant 0 : i32
      "tpu.region"() ({
        %run_scoped3A_107 = tpu.sem_alloc : memref<!tpu.dma_semaphore, #tpu.memory_space<semaphore_mem>>
        %dma_start3A = arith.constant 0 : i32
        %dma_start3A_108 = tpu.memref_slice %arg6[%run_scoped3A, %run_scoped3A_92, %dma_start3A] : memref<2x8x128xi32, #tpu.memory_space<vmem>> -> memref<1x1x128xi32, #tpu.memory_space<vmem>>
        %dma_start3A_109 = tpu.memref_squeeze %dma_start3A_108 : memref<1x1x128xi32, #tpu.memory_space<vmem>> -> memref<128xi32, #tpu.memory_space<vmem>>
        %dma_start3A_110 = arith.constant 0 : i32
        %dma_start3A_111 = arith.constant 0 : i32
        %dma_start3A_112 = tpu.memref_slice %arg9[%dma_start3A_110, %dma_start3A_111] : memref<10112x128xf32, #tpu.memory_space<vmem_shared>> -> memref<10112x128xf32, #tpu.memory_space<vmem_shared>>
        tpu.enqueue_indirect_dma source(%arg7 : memref<128x128xf32, #tpu.memory_space<vmem>>) target(%dma_start3A_112 : memref<10112x128xf32, #tpu.memory_space<vmem_shared>>) offsets(%dma_start3A_109 : memref<128xi32, #tpu.memory_space<vmem>>) semaphore(%run_scoped3A_107 : memref<!tpu.dma_semaphore, #tpu.memory_space<semaphore_mem>>) {add = true}
        %dma_wait3A = arith.constant 0 : i32
        %dma_wait3A_113 = tpu.memref_slice %arg6[%run_scoped3A, %run_scoped3A_92, %dma_wait3A] : memref<2x8x128xi32, #tpu.memory_space<vmem>> -> memref<1x1x128xi32, #tpu.memory_space<vmem>>
        %dma_wait3A_114 = tpu.memref_squeeze %dma_wait3A_113 : memref<1x1x128xi32, #tpu.memory_space<vmem>> -> memref<128xi32, #tpu.memory_space<vmem>>
        %dma_wait3A_115 = arith.constant 0 : i32
        %dma_wait3A_116 = arith.constant 0 : i32
        %dma_wait3A_117 = tpu.memref_slice %arg9[%dma_wait3A_115, %dma_wait3A_116] : memref<10112x128xf32, #tpu.memory_space<vmem_shared>> -> memref<10112x128xf32, #tpu.memory_space<vmem_shared>>
        tpu.wait_indirect_dma semaphore(%run_scoped3A_107 : memref<!tpu.dma_semaphore, #tpu.memory_space<semaphore_mem>>) src(%arg7 : memref<128x128xf32, #tpu.memory_space<vmem>>) dst(%dma_wait3A_117 : memref<10112x128xf32, #tpu.memory_space<vmem_shared>>)
        tpu.yield
      }) : () -> ()
      %run_scoped3A_93 = arith.constant 1 : i32
      %run_scoped3A_94 = arith.constant 1 : i32
      "tpu.region"() ({
        %run_scoped3A_107 = tpu.sem_alloc : memref<!tpu.dma_semaphore, #tpu.memory_space<semaphore_mem>>
        %dma_start3A = arith.constant 0 : i32
        %dma_start3A_108 = tpu.memref_slice %arg6[%run_scoped3A_93, %run_scoped3A_94, %dma_start3A] : memref<2x8x128xi32, #tpu.memory_space<vmem>> -> memref<1x1x128xi32, #tpu.memory_space<vmem>>
        %dma_start3A_109 = tpu.memref_squeeze %dma_start3A_108 : memref<1x1x128xi32, #tpu.memory_space<vmem>> -> memref<128xi32, #tpu.memory_space<vmem>>
        %dma_start3A_110 = arith.constant 0 : i32
        %dma_start3A_111 = arith.constant 0 : i32
        %dma_start3A_112 = tpu.memref_slice %arg9[%dma_start3A_110, %dma_start3A_111] : memref<10112x128xf32, #tpu.memory_space<vmem_shared>> -> memref<10112x128xf32, #tpu.memory_space<vmem_shared>>
        tpu.enqueue_indirect_dma source(%arg7 : memref<128x128xf32, #tpu.memory_space<vmem>>) target(%dma_start3A_112 : memref<10112x128xf32, #tpu.memory_space<vmem_shared>>) offsets(%dma_start3A_109 : memref<128xi32, #tpu.memory_space<vmem>>) semaphore(%run_scoped3A_107 : memref<!tpu.dma_semaphore, #tpu.memory_space<semaphore_mem>>) {add = true}
        %dma_wait3A = arith.constant 0 : i32
        %dma_wait3A_113 = tpu.memref_slice %arg6[%run_scoped3A_93, %run_scoped3A_94, %dma_wait3A] : memref<2x8x128xi32, #tpu.memory_space<vmem>> -> memref<1x1x128xi32, #tpu.memory_space<vmem>>
        %dma_wait3A_114 = tpu.memref_squeeze %dma_wait3A_113 : memref<1x1x128xi32, #tpu.memory_space<vmem>> -> memref<128xi32, #tpu.memory_space<vmem>>
        %dma_wait3A_115 = arith.constant 0 : i32
        %dma_wait3A_116 = arith.constant 0 : i32
        %dma_wait3A_117 = tpu.memref_slice %arg9[%dma_wait3A_115, %dma_wait3A_116] : memref<10112x128xf32, #tpu.memory_space<vmem_shared>> -> memref<10112x128xf32, #tpu.memory_space<vmem_shared>>
        tpu.wait_indirect_dma semaphore(%run_scoped3A_107 : memref<!tpu.dma_semaphore, #tpu.memory_space<semaphore_mem>>) src(%arg7 : memref<128x128xf32, #tpu.memory_space<vmem>>) dst(%dma_wait3A_117 : memref<10112x128xf32, #tpu.memory_space<vmem_shared>>)
        tpu.yield
      }) : () -> ()
      %run_scoped3A_95 = arith.constant 1 : i32
      %run_scoped3A_96 = arith.constant 2 : i32
      "tpu.region"() ({
        %run_scoped3A_107 = tpu.sem_alloc : memref<!tpu.dma_semaphore, #tpu.memory_space<semaphore_mem>>
        %dma_start3A = arith.constant 0 : i32
        %dma_start3A_108 = tpu.memref_slice %arg6[%run_scoped3A_95, %run_scoped3A_96, %dma_start3A] : memref<2x8x128xi32, #tpu.memory_space<vmem>> -> memref<1x1x128xi32, #tpu.memory_space<vmem>>
        %dma_start3A_109 = tpu.memref_squeeze %dma_start3A_108 : memref<1x1x128xi32, #tpu.memory_space<vmem>> -> memref<128xi32, #tpu.memory_space<vmem>>
        %dma_start3A_110 = arith.constant 0 : i32
        %dma_start3A_111 = arith.constant 0 : i32
        %dma_start3A_112 = tpu.memref_slice %arg9[%dma_start3A_110, %dma_start3A_111] : memref<10112x128xf32, #tpu.memory_space<vmem_shared>> -> memref<10112x128xf32, #tpu.memory_space<vmem_shared>>
        tpu.enqueue_indirect_dma source(%arg7 : memref<128x128xf32, #tpu.memory_space<vmem>>) target(%dma_start3A_112 : memref<10112x128xf32, #tpu.memory_space<vmem_shared>>) offsets(%dma_start3A_109 : memref<128xi32, #tpu.memory_space<vmem>>) semaphore(%run_scoped3A_107 : memref<!tpu.dma_semaphore, #tpu.memory_space<semaphore_mem>>) {add = true}
        %dma_wait3A = arith.constant 0 : i32
        %dma_wait3A_113 = tpu.memref_slice %arg6[%run_scoped3A_95, %run_scoped3A_96, %dma_wait3A] : memref<2x8x128xi32, #tpu.memory_space<vmem>> -> memref<1x1x128xi32, #tpu.memory_space<vmem>>
        %dma_wait3A_114 = tpu.memref_squeeze %dma_wait3A_113 : memref<1x1x128xi32, #tpu.memory_space<vmem>> -> memref<128xi32, #tpu.memory_space<vmem>>
        %dma_wait3A_115 = arith.constant 0 : i32
        %dma_wait3A_116 = arith.constant 0 : i32
        %dma_wait3A_117 = tpu.memref_slice %arg9[%dma_wait3A_115, %dma_wait3A_116] : memref<10112x128xf32, #tpu.memory_space<vmem_shared>> -> memref<10112x128xf32, #tpu.memory_space<vmem_shared>>
        tpu.wait_indirect_dma semaphore(%run_scoped3A_107 : memref<!tpu.dma_semaphore, #tpu.memory_space<semaphore_mem>>) src(%arg7 : memref<128x128xf32, #tpu.memory_space<vmem>>) dst(%dma_wait3A_117 : memref<10112x128xf32, #tpu.memory_space<vmem_shared>>)
        tpu.yield
      }) : () -> ()
      %run_scoped3A_97 = arith.constant 1 : i32
      %run_scoped3A_98 = arith.constant 3 : i32
      "tpu.region"() ({
        %run_scoped3A_107 = tpu.sem_alloc : memref<!tpu.dma_semaphore, #tpu.memory_space<semaphore_mem>>
        %dma_start3A = arith.constant 0 : i32
        %dma_start3A_108 = tpu.memref_slice %arg6[%run_scoped3A_97, %run_scoped3A_98, %dma_start3A] : memref<2x8x128xi32, #tpu.memory_space<vmem>> -> memref<1x1x128xi32, #tpu.memory_space<vmem>>
        %dma_start3A_109 = tpu.memref_squeeze %dma_start3A_108 : memref<1x1x128xi32, #tpu.memory_space<vmem>> -> memref<128xi32, #tpu.memory_space<vmem>>
        %dma_start3A_110 = arith.constant 0 : i32
        %dma_start3A_111 = arith.constant 0 : i32
        %dma_start3A_112 = tpu.memref_slice %arg9[%dma_start3A_110, %dma_start3A_111] : memref<10112x128xf32, #tpu.memory_space<vmem_shared>> -> memref<10112x128xf32, #tpu.memory_space<vmem_shared>>
        tpu.enqueue_indirect_dma source(%arg7 : memref<128x128xf32, #tpu.memory_space<vmem>>) target(%dma_start3A_112 : memref<10112x128xf32, #tpu.memory_space<vmem_shared>>) offsets(%dma_start3A_109 : memref<128xi32, #tpu.memory_space<vmem>>) semaphore(%run_scoped3A_107 : memref<!tpu.dma_semaphore, #tpu.memory_space<semaphore_mem>>) {add = true}
        %dma_wait3A = arith.constant 0 : i32
        %dma_wait3A_113 = tpu.memref_slice %arg6[%run_scoped3A_97, %run_scoped3A_98, %dma_wait3A] : memref<2x8x128xi32, #tpu.memory_space<vmem>> -> memref<1x1x128xi32, #tpu.memory_space<vmem>>
        %dma_wait3A_114 = tpu.memref_squeeze %dma_wait3A_113 : memref<1x1x128xi32, #tpu.memory_space<vmem>> -> memref<128xi32, #tpu.memory_space<vmem>>
        %dma_wait3A_115 = arith.constant 0 : i32
        %dma_wait3A_116 = arith.constant 0 : i32
        %dma_wait3A_117 = tpu.memref_slice %arg9[%dma_wait3A_115, %dma_wait3A_116] : memref<10112x128xf32, #tpu.memory_space<vmem_shared>> -> memref<10112x128xf32, #tpu.memory_space<vmem_shared>>
        tpu.wait_indirect_dma semaphore(%run_scoped3A_107 : memref<!tpu.dma_semaphore, #tpu.memory_space<semaphore_mem>>) src(%arg7 : memref<128x128xf32, #tpu.memory_space<vmem>>) dst(%dma_wait3A_117 : memref<10112x128xf32, #tpu.memory_space<vmem_shared>>)
        tpu.yield
      }) : () -> ()
      %run_scoped3A_99 = arith.constant 1 : i32
      %run_scoped3A_100 = arith.constant 4 : i32
      "tpu.region"() ({
        %run_scoped3A_107 = tpu.sem_alloc : memref<!tpu.dma_semaphore, #tpu.memory_space<semaphore_mem>>
        %dma_start3A = arith.constant 0 : i32
        %dma_start3A_108 = tpu.memref_slice %arg6[%run_scoped3A_99, %run_scoped3A_100, %dma_start3A] : memref<2x8x128xi32, #tpu.memory_space<vmem>> -> memref<1x1x128xi32, #tpu.memory_space<vmem>>
        %dma_start3A_109 = tpu.memref_squeeze %dma_start3A_108 : memref<1x1x128xi32, #tpu.memory_space<vmem>> -> memref<128xi32, #tpu.memory_space<vmem>>
        %dma_start3A_110 = arith.constant 0 : i32
        %dma_start3A_111 = arith.constant 0 : i32
        %dma_start3A_112 = tpu.memref_slice %arg9[%dma_start3A_110, %dma_start3A_111] : memref<10112x128xf32, #tpu.memory_space<vmem_shared>> -> memref<10112x128xf32, #tpu.memory_space<vmem_shared>>
        tpu.enqueue_indirect_dma source(%arg7 : memref<128x128xf32, #tpu.memory_space<vmem>>) target(%dma_start3A_112 : memref<10112x128xf32, #tpu.memory_space<vmem_shared>>) offsets(%dma_start3A_109 : memref<128xi32, #tpu.memory_space<vmem>>) semaphore(%run_scoped3A_107 : memref<!tpu.dma_semaphore, #tpu.memory_space<semaphore_mem>>) {add = true}
        %dma_wait3A = arith.constant 0 : i32
        %dma_wait3A_113 = tpu.memref_slice %arg6[%run_scoped3A_99, %run_scoped3A_100, %dma_wait3A] : memref<2x8x128xi32, #tpu.memory_space<vmem>> -> memref<1x1x128xi32, #tpu.memory_space<vmem>>
        %dma_wait3A_114 = tpu.memref_squeeze %dma_wait3A_113 : memref<1x1x128xi32, #tpu.memory_space<vmem>> -> memref<128xi32, #tpu.memory_space<vmem>>
        %dma_wait3A_115 = arith.constant 0 : i32
        %dma_wait3A_116 = arith.constant 0 : i32
        %dma_wait3A_117 = tpu.memref_slice %arg9[%dma_wait3A_115, %dma_wait3A_116] : memref<10112x128xf32, #tpu.memory_space<vmem_shared>> -> memref<10112x128xf32, #tpu.memory_space<vmem_shared>>
        tpu.wait_indirect_dma semaphore(%run_scoped3A_107 : memref<!tpu.dma_semaphore, #tpu.memory_space<semaphore_mem>>) src(%arg7 : memref<128x128xf32, #tpu.memory_space<vmem>>) dst(%dma_wait3A_117 : memref<10112x128xf32, #tpu.memory_space<vmem_shared>>)
        tpu.yield
      }) : () -> ()
      %run_scoped3A_101 = arith.constant 1 : i32
      %run_scoped3A_102 = arith.constant 5 : i32
      "tpu.region"() ({
        %run_scoped3A_107 = tpu.sem_alloc : memref<!tpu.dma_semaphore, #tpu.memory_space<semaphore_mem>>
        %dma_start3A = arith.constant 0 : i32
        %dma_start3A_108 = tpu.memref_slice %arg6[%run_scoped3A_101, %run_scoped3A_102, %dma_start3A] : memref<2x8x128xi32, #tpu.memory_space<vmem>> -> memref<1x1x128xi32, #tpu.memory_space<vmem>>
        %dma_start3A_109 = tpu.memref_squeeze %dma_start3A_108 : memref<1x1x128xi32, #tpu.memory_space<vmem>> -> memref<128xi32, #tpu.memory_space<vmem>>
        %dma_start3A_110 = arith.constant 0 : i32
        %dma_start3A_111 = arith.constant 0 : i32
        %dma_start3A_112 = tpu.memref_slice %arg9[%dma_start3A_110, %dma_start3A_111] : memref<10112x128xf32, #tpu.memory_space<vmem_shared>> -> memref<10112x128xf32, #tpu.memory_space<vmem_shared>>
        tpu.enqueue_indirect_dma source(%arg7 : memref<128x128xf32, #tpu.memory_space<vmem>>) target(%dma_start3A_112 : memref<10112x128xf32, #tpu.memory_space<vmem_shared>>) offsets(%dma_start3A_109 : memref<128xi32, #tpu.memory_space<vmem>>) semaphore(%run_scoped3A_107 : memref<!tpu.dma_semaphore, #tpu.memory_space<semaphore_mem>>) {add = true}
        %dma_wait3A = arith.constant 0 : i32
        %dma_wait3A_113 = tpu.memref_slice %arg6[%run_scoped3A_101, %run_scoped3A_102, %dma_wait3A] : memref<2x8x128xi32, #tpu.memory_space<vmem>> -> memref<1x1x128xi32, #tpu.memory_space<vmem>>
        %dma_wait3A_114 = tpu.memref_squeeze %dma_wait3A_113 : memref<1x1x128xi32, #tpu.memory_space<vmem>> -> memref<128xi32, #tpu.memory_space<vmem>>
        %dma_wait3A_115 = arith.constant 0 : i32
        %dma_wait3A_116 = arith.constant 0 : i32
        %dma_wait3A_117 = tpu.memref_slice %arg9[%dma_wait3A_115, %dma_wait3A_116] : memref<10112x128xf32, #tpu.memory_space<vmem_shared>> -> memref<10112x128xf32, #tpu.memory_space<vmem_shared>>
        tpu.wait_indirect_dma semaphore(%run_scoped3A_107 : memref<!tpu.dma_semaphore, #tpu.memory_space<semaphore_mem>>) src(%arg7 : memref<128x128xf32, #tpu.memory_space<vmem>>) dst(%dma_wait3A_117 : memref<10112x128xf32, #tpu.memory_space<vmem_shared>>)
        tpu.yield
      }) : () -> ()
      %run_scoped3A_103 = arith.constant 1 : i32
      %run_scoped3A_104 = arith.constant 6 : i32
      "tpu.region"() ({
        %run_scoped3A_107 = tpu.sem_alloc : memref<!tpu.dma_semaphore, #tpu.memory_space<semaphore_mem>>
        %dma_start3A = arith.constant 0 : i32
        %dma_start3A_108 = tpu.memref_slice %arg6[%run_scoped3A_103, %run_scoped3A_104, %dma_start3A] : memref<2x8x128xi32, #tpu.memory_space<vmem>> -> memref<1x1x128xi32, #tpu.memory_space<vmem>>
        %dma_start3A_109 = tpu.memref_squeeze %dma_start3A_108 : memref<1x1x128xi32, #tpu.memory_space<vmem>> -> memref<128xi32, #tpu.memory_space<vmem>>
        %dma_start3A_110 = arith.constant 0 : i32
        %dma_start3A_111 = arith.constant 0 : i32
        %dma_start3A_112 = tpu.memref_slice %arg9[%dma_start3A_110, %dma_start3A_111] : memref<10112x128xf32, #tpu.memory_space<vmem_shared>> -> memref<10112x128xf32, #tpu.memory_space<vmem_shared>>
        tpu.enqueue_indirect_dma source(%arg7 : memref<128x128xf32, #tpu.memory_space<vmem>>) target(%dma_start3A_112 : memref<10112x128xf32, #tpu.memory_space<vmem_shared>>) offsets(%dma_start3A_109 : memref<128xi32, #tpu.memory_space<vmem>>) semaphore(%run_scoped3A_107 : memref<!tpu.dma_semaphore, #tpu.memory_space<semaphore_mem>>) {add = true}
        %dma_wait3A = arith.constant 0 : i32
        %dma_wait3A_113 = tpu.memref_slice %arg6[%run_scoped3A_103, %run_scoped3A_104, %dma_wait3A] : memref<2x8x128xi32, #tpu.memory_space<vmem>> -> memref<1x1x128xi32, #tpu.memory_space<vmem>>
        %dma_wait3A_114 = tpu.memref_squeeze %dma_wait3A_113 : memref<1x1x128xi32, #tpu.memory_space<vmem>> -> memref<128xi32, #tpu.memory_space<vmem>>
        %dma_wait3A_115 = arith.constant 0 : i32
        %dma_wait3A_116 = arith.constant 0 : i32
        %dma_wait3A_117 = tpu.memref_slice %arg9[%dma_wait3A_115, %dma_wait3A_116] : memref<10112x128xf32, #tpu.memory_space<vmem_shared>> -> memref<10112x128xf32, #tpu.memory_space<vmem_shared>>
        tpu.wait_indirect_dma semaphore(%run_scoped3A_107 : memref<!tpu.dma_semaphore, #tpu.memory_space<semaphore_mem>>) src(%arg7 : memref<128x128xf32, #tpu.memory_space<vmem>>) dst(%dma_wait3A_117 : memref<10112x128xf32, #tpu.memory_space<vmem_shared>>)
        tpu.yield
      }) : () -> ()
      %run_scoped3A_105 = arith.constant 1 : i32
      %run_scoped3A_106 = arith.constant 7 : i32
      "tpu.region"() ({
        %run_scoped3A_107 = tpu.sem_alloc : memref<!tpu.dma_semaphore, #tpu.memory_space<semaphore_mem>>
        %dma_start3A = arith.constant 0 : i32
        %dma_start3A_108 = tpu.memref_slice %arg6[%run_scoped3A_105, %run_scoped3A_106, %dma_start3A] : memref<2x8x128xi32, #tpu.memory_space<vmem>> -> memref<1x1x128xi32, #tpu.memory_space<vmem>>
        %dma_start3A_109 = tpu.memref_squeeze %dma_start3A_108 : memref<1x1x128xi32, #tpu.memory_space<vmem>> -> memref<128xi32, #tpu.memory_space<vmem>>
        %dma_start3A_110 = arith.constant 0 : i32
        %dma_start3A_111 = arith.constant 0 : i32
        %dma_start3A_112 = tpu.memref_slice %arg9[%dma_start3A_110, %dma_start3A_111] : memref<10112x128xf32, #tpu.memory_space<vmem_shared>> -> memref<10112x128xf32, #tpu.memory_space<vmem_shared>>
        tpu.enqueue_indirect_dma source(%arg7 : memref<128x128xf32, #tpu.memory_space<vmem>>) target(%dma_start3A_112 : memref<10112x128xf32, #tpu.memory_space<vmem_shared>>) offsets(%dma_start3A_109 : memref<128xi32, #tpu.memory_space<vmem>>) semaphore(%run_scoped3A_107 : memref<!tpu.dma_semaphore, #tpu.memory_space<semaphore_mem>>) {add = true}
        %dma_wait3A = arith.constant 0 : i32
        %dma_wait3A_113 = tpu.memref_slice %arg6[%run_scoped3A_105, %run_scoped3A_106, %dma_wait3A] : memref<2x8x128xi32, #tpu.memory_space<vmem>> -> memref<1x1x128xi32, #tpu.memory_space<vmem>>
        %dma_wait3A_114 = tpu.memref_squeeze %dma_wait3A_113 : memref<1x1x128xi32, #tpu.memory_space<vmem>> -> memref<128xi32, #tpu.memory_space<vmem>>
        %dma_wait3A_115 = arith.constant 0 : i32
        %dma_wait3A_116 = arith.constant 0 : i32
        %dma_wait3A_117 = tpu.memref_slice %arg9[%dma_wait3A_115, %dma_wait3A_116] : memref<10112x128xf32, #tpu.memory_space<vmem_shared>> -> memref<10112x128xf32, #tpu.memory_space<vmem_shared>>
        tpu.wait_indirect_dma semaphore(%run_scoped3A_107 : memref<!tpu.dma_semaphore, #tpu.memory_space<semaphore_mem>>) src(%arg7 : memref<128x128xf32, #tpu.memory_space<vmem>>) dst(%dma_wait3A_117 : memref<10112x128xf32, #tpu.memory_space<vmem_shared>>)
        tpu.yield
      }) : () -> ()
    }
    %scan3A_67 = arith.constant 10 : i32
    %barrier3A_68 = arith.constant 0 : index
    tpu.barrier barrier_id(%barrier3A_68)
    %add3A_69 = arith.constant 0 : i32
    %add3A_70 = arith.addi %mul3A_2, %add3A_69 : i32
    %add3A_71 = arith.constant 0 : i32
    %add3A_72 = arith.addi %mul3A_2, %add3A_71 : i32
    "tpu.region"() ({
      %run_scoped3A = tpu.sem_alloc : memref<!tpu.dma_semaphore, #tpu.memory_space<semaphore_mem>>
      %dma_start3A = arith.constant 0 : i32
      %dma_start3A_87 = tpu.memref_slice %arg5[%arg0, %add3A_72, %dma_start3A] : memref<2x10112x128xf32, #tpu.memory_space<hbm>> -> memref<1x128x128xf32, #tpu.memory_space<hbm>>
      %dma_start3A_88 = tpu.memref_squeeze %dma_start3A_87 : memref<1x128x128xf32, #tpu.memory_space<hbm>> -> memref<128x128xf32, #tpu.memory_space<hbm>>
      %dma_start3A_89 = arith.constant 0 : i32
      %dma_start3A_90 = tpu.memref_slice %arg9[%add3A_70, %dma_start3A_89] : memref<10112x128xf32, #tpu.memory_space<vmem_shared>> -> memref<128x128xf32, #tpu.memory_space<vmem_shared>>
      tpu.enqueue_dma source(%dma_start3A_90 : memref<128x128xf32, #tpu.memory_space<vmem_shared>>) target(%dma_start3A_88 : memref<128x128xf32, #tpu.memory_space<hbm>>) target_semaphore(%run_scoped3A : memref<!tpu.dma_semaphore, #tpu.memory_space<semaphore_mem>>)
      %dma_wait3A = arith.constant 0 : i32
      %dma_wait3A_91 = tpu.memref_slice %arg5[%arg0, %add3A_72, %dma_wait3A] : memref<2x10112x128xf32, #tpu.memory_space<hbm>> -> memref<1x128x128xf32, #tpu.memory_space<hbm>>
      %dma_wait3A_92 = tpu.memref_squeeze %dma_wait3A_91 : memref<1x128x128xf32, #tpu.memory_space<hbm>> -> memref<128x128xf32, #tpu.memory_space<hbm>>
      %dma_wait3A_93 = arith.constant 0 : i32
      %dma_wait3A_94 = tpu.memref_slice %arg9[%add3A_70, %dma_wait3A_93] : memref<10112x128xf32, #tpu.memory_space<vmem_shared>> -> memref<128x128xf32, #tpu.memory_space<vmem_shared>>
      tpu.wait_dma2 semaphore(%run_scoped3A : memref<!tpu.dma_semaphore, #tpu.memory_space<semaphore_mem>>) src(%dma_wait3A_94 : memref<128x128xf32, #tpu.memory_space<vmem_shared>>) dst(%dma_wait3A_92 : memref<128x128xf32, #tpu.memory_space<hbm>>)
      tpu.yield
    }) : () -> ()
    %add3A_73 = arith.constant 128 : i32
    %add3A_74 = arith.addi %mul3A_2, %add3A_73 : i32
    %add3A_75 = arith.constant 128 : i32
    %add3A_76 = arith.addi %mul3A_2, %add3A_75 : i32
    "tpu.region"() ({
      %run_scoped3A = tpu.sem_alloc : memref<!tpu.dma_semaphore, #tpu.memory_space<semaphore_mem>>
      %dma_start3A = arith.constant 0 : i32
      %dma_start3A_87 = tpu.memref_slice %arg5[%arg0, %add3A_76, %dma_start3A] : memref<2x10112x128xf32, #tpu.memory_space<hbm>> -> memref<1x128x128xf32, #tpu.memory_space<hbm>>
      %dma_start3A_88 = tpu.memref_squeeze %dma_start3A_87 : memref<1x128x128xf32, #tpu.memory_space<hbm>> -> memref<128x128xf32, #tpu.memory_space<hbm>>
      %dma_start3A_89 = arith.constant 0 : i32
      %dma_start3A_90 = tpu.memref_slice %arg9[%add3A_74, %dma_start3A_89] : memref<10112x128xf32, #tpu.memory_space<vmem_shared>> -> memref<128x128xf32, #tpu.memory_space<vmem_shared>>
      tpu.enqueue_dma source(%dma_start3A_90 : memref<128x128xf32, #tpu.memory_space<vmem_shared>>) target(%dma_start3A_88 : memref<128x128xf32, #tpu.memory_space<hbm>>) target_semaphore(%run_scoped3A : memref<!tpu.dma_semaphore, #tpu.memory_space<semaphore_mem>>)
      %dma_wait3A = arith.constant 0 : i32
      %dma_wait3A_91 = tpu.memref_slice %arg5[%arg0, %add3A_76, %dma_wait3A] : memref<2x10112x128xf32, #tpu.memory_space<hbm>> -> memref<1x128x128xf32, #tpu.memory_space<hbm>>
      %dma_wait3A_92 = tpu.memref_squeeze %dma_wait3A_91 : memref<1x128x128xf32, #tpu.memory_space<hbm>> -> memref<128x128xf32, #tpu.memory_space<hbm>>
      %dma_wait3A_93 = arith.constant 0 : i32
      %dma_wait3A_94 = tpu.memref_slice %arg9[%add3A_74, %dma_wait3A_93] : memref<10112x128xf32, #tpu.memory_space<vmem_shared>> -> memref<128x128xf32, #tpu.memory_space<vmem_shared>>
      tpu.wait_dma2 semaphore(%run_scoped3A : memref<!tpu.dma_semaphore, #tpu.memory_space<semaphore_mem>>) src(%dma_wait3A_94 : memref<128x128xf32, #tpu.memory_space<vmem_shared>>) dst(%dma_wait3A_92 : memref<128x128xf32, #tpu.memory_space<hbm>>)
      tpu.yield
    }) : () -> ()
    %add3A_77 = arith.constant 256 : i32
    %add3A_78 = arith.addi %mul3A_2, %add3A_77 : i32
    %add3A_79 = arith.constant 256 : i32
    %add3A_80 = arith.addi %mul3A_2, %add3A_79 : i32
    "tpu.region"() ({
      %run_scoped3A = tpu.sem_alloc : memref<!tpu.dma_semaphore, #tpu.memory_space<semaphore_mem>>
      %dma_start3A = arith.constant 0 : i32
      %dma_start3A_87 = tpu.memref_slice %arg5[%arg0, %add3A_80, %dma_start3A] : memref<2x10112x128xf32, #tpu.memory_space<hbm>> -> memref<1x128x128xf32, #tpu.memory_space<hbm>>
      %dma_start3A_88 = tpu.memref_squeeze %dma_start3A_87 : memref<1x128x128xf32, #tpu.memory_space<hbm>> -> memref<128x128xf32, #tpu.memory_space<hbm>>
      %dma_start3A_89 = arith.constant 0 : i32
      %dma_start3A_90 = tpu.memref_slice %arg9[%add3A_78, %dma_start3A_89] : memref<10112x128xf32, #tpu.memory_space<vmem_shared>> -> memref<128x128xf32, #tpu.memory_space<vmem_shared>>
      tpu.enqueue_dma source(%dma_start3A_90 : memref<128x128xf32, #tpu.memory_space<vmem_shared>>) target(%dma_start3A_88 : memref<128x128xf32, #tpu.memory_space<hbm>>) target_semaphore(%run_scoped3A : memref<!tpu.dma_semaphore, #tpu.memory_space<semaphore_mem>>)
      %dma_wait3A = arith.constant 0 : i32
      %dma_wait3A_91 = tpu.memref_slice %arg5[%arg0, %add3A_80, %dma_wait3A] : memref<2x10112x128xf32, #tpu.memory_space<hbm>> -> memref<1x128x128xf32, #tpu.memory_space<hbm>>
      %dma_wait3A_92 = tpu.memref_squeeze %dma_wait3A_91 : memref<1x128x128xf32, #tpu.memory_space<hbm>> -> memref<128x128xf32, #tpu.memory_space<hbm>>
      %dma_wait3A_93 = arith.constant 0 : i32
      %dma_wait3A_94 = tpu.memref_slice %arg9[%add3A_78, %dma_wait3A_93] : memref<10112x128xf32, #tpu.memory_space<vmem_shared>> -> memref<128x128xf32, #tpu.memory_space<vmem_shared>>
      tpu.wait_dma2 semaphore(%run_scoped3A : memref<!tpu.dma_semaphore, #tpu.memory_space<semaphore_mem>>) src(%dma_wait3A_94 : memref<128x128xf32, #tpu.memory_space<vmem_shared>>) dst(%dma_wait3A_92 : memref<128x128xf32, #tpu.memory_space<hbm>>)
      tpu.yield
    }) : () -> ()
    %add3A_81 = arith.constant 384 : i32
    %add3A_82 = arith.addi %mul3A_2, %add3A_81 : i32
    %add3A_83 = arith.constant 384 : i32
    %add3A_84 = arith.addi %mul3A_2, %add3A_83 : i32
    "tpu.region"() ({
      %run_scoped3A = tpu.sem_alloc : memref<!tpu.dma_semaphore, #tpu.memory_space<semaphore_mem>>
      %dma_start3A = arith.constant 0 : i32
      %dma_start3A_87 = tpu.memref_slice %arg5[%arg0, %add3A_84, %dma_start3A] : memref<2x10112x128xf32, #tpu.memory_space<hbm>> -> memref<1x128x128xf32, #tpu.memory_space<hbm>>
      %dma_start3A_88 = tpu.memref_squeeze %dma_start3A_87 : memref<1x128x128xf32, #tpu.memory_space<hbm>> -> memref<128x128xf32, #tpu.memory_space<hbm>>
      %dma_start3A_89 = arith.constant 0 : i32
      %dma_start3A_90 = tpu.memref_slice %arg9[%add3A_82, %dma_start3A_89] : memref<10112x128xf32, #tpu.memory_space<vmem_shared>> -> memref<128x128xf32, #tpu.memory_space<vmem_shared>>
      tpu.enqueue_dma source(%dma_start3A_90 : memref<128x128xf32, #tpu.memory_space<vmem_shared>>) target(%dma_start3A_88 : memref<128x128xf32, #tpu.memory_space<hbm>>) target_semaphore(%run_scoped3A : memref<!tpu.dma_semaphore, #tpu.memory_space<semaphore_mem>>)
      %dma_wait3A = arith.constant 0 : i32
      %dma_wait3A_91 = tpu.memref_slice %arg5[%arg0, %add3A_84, %dma_wait3A] : memref<2x10112x128xf32, #tpu.memory_space<hbm>> -> memref<1x128x128xf32, #tpu.memory_space<hbm>>
      %dma_wait3A_92 = tpu.memref_squeeze %dma_wait3A_91 : memref<1x128x128xf32, #tpu.memory_space<hbm>> -> memref<128x128xf32, #tpu.memory_space<hbm>>
      %dma_wait3A_93 = arith.constant 0 : i32
      %dma_wait3A_94 = tpu.memref_slice %arg9[%add3A_82, %dma_wait3A_93] : memref<10112x128xf32, #tpu.memory_space<vmem_shared>> -> memref<128x128xf32, #tpu.memory_space<vmem_shared>>
      tpu.wait_dma2 semaphore(%run_scoped3A : memref<!tpu.dma_semaphore, #tpu.memory_space<semaphore_mem>>) src(%dma_wait3A_94 : memref<128x128xf32, #tpu.memory_space<vmem_shared>>) dst(%dma_wait3A_92 : memref<128x128xf32, #tpu.memory_space<hbm>>)
      tpu.yield
    }) : () -> ()
    %add3A_85 = arith.constant 512 : i32
    %add3A_86 = arith.addi %mul3A_2, %add3A_85 : i32
    "tpu.region"() ({
      %run_scoped3A = tpu.sem_alloc : memref<!tpu.dma_semaphore, #tpu.memory_space<semaphore_mem>>
      %dma_start3A = arith.constant 0 : i32
      %dma_start3A_87 = tpu.memref_slice %arg5[%arg0, %add3A_86, %dma_start3A] : memref<2x10112x128xf32, #tpu.memory_space<hbm>> -> memref<1x120x128xf32, #tpu.memory_space<hbm>>
      %dma_start3A_88 = tpu.memref_squeeze %dma_start3A_87 : memref<1x120x128xf32, #tpu.memory_space<hbm>> -> memref<120x128xf32, #tpu.memory_space<hbm>>
      %dma_start3A_89 = arith.constant 0 : i32
      %dma_start3A_90 = tpu.memref_slice %arg9[%add3A_86, %dma_start3A_89] : memref<10112x128xf32, #tpu.memory_space<vmem_shared>> -> memref<120x128xf32, #tpu.memory_space<vmem_shared>>
      tpu.enqueue_dma source(%dma_start3A_90 : memref<120x128xf32, #tpu.memory_space<vmem_shared>>) target(%dma_start3A_88 : memref<120x128xf32, #tpu.memory_space<hbm>>) target_semaphore(%run_scoped3A : memref<!tpu.dma_semaphore, #tpu.memory_space<semaphore_mem>>)
      %dma_wait3A = arith.constant 0 : i32
      %dma_wait3A_91 = tpu.memref_slice %arg5[%arg0, %add3A_86, %dma_wait3A] : memref<2x10112x128xf32, #tpu.memory_space<hbm>> -> memref<1x120x128xf32, #tpu.memory_space<hbm>>
      %dma_wait3A_92 = tpu.memref_squeeze %dma_wait3A_91 : memref<1x120x128xf32, #tpu.memory_space<hbm>> -> memref<120x128xf32, #tpu.memory_space<hbm>>
      %dma_wait3A_93 = arith.constant 0 : i32
      %dma_wait3A_94 = tpu.memref_slice %arg9[%add3A_86, %dma_wait3A_93] : memref<10112x128xf32, #tpu.memory_space<vmem_shared>> -> memref<120x128xf32, #tpu.memory_space<vmem_shared>>
      tpu.wait_dma2 semaphore(%run_scoped3A : memref<!tpu.dma_semaphore, #tpu.memory_space<semaphore_mem>>) src(%dma_wait3A_94 : memref<120x128xf32, #tpu.memory_space<vmem_shared>>) dst(%dma_wait3A_92 : memref<120x128xf32, #tpu.memory_space<hbm>>)
      tpu.yield
    }) : () -> ()
    return
  }
}

module attributes {stable_mosaic.version = 14 : i64} {
  func.func @_tc_body(%arg0: i32, %arg1: memref<2x1000x128xf32, #tpu.memory_space<vmem>>, %arg2: memref<2x1000x128xf32, #tpu.memory_space<vmem>>, %arg3: memref<1000x128xf32, #tpu.memory_space<vmem>>, %arg4: memref<128x128xf32, #tpu.memory_space<vmem>>, %arg5: memref<128x128xf32, #tpu.memory_space<vmem>>, %arg6: memref<1x128xf32, #tpu.memory_space<vmem>>, %arg7: memref<1000x128xf32, #tpu.memory_space<vmem>>) attributes {dimension_semantics = [#tpu.dimension_semantics<arbitrary>], iteration_bounds = array<i64: 10>, scalar_prefetch = 0 : i64, scratch_operands = 0 : i64, tpu.core_type = #tpu.core_type<tc>, window_params = [{transform_indices = @transform_0, window_bounds = array<i64: 2, 1000, 128>}, {transform_indices = @transform_1, window_bounds = array<i64: 2, 1000, 128>}, {transform_indices = @transform_2, window_bounds = array<i64: 1000, 128>}, {pipeline_mode = #tpu.pipeline_mode<synchronous>, transform_indices = @transform_3, window_bounds = array<i64: 128, 128>}, {pipeline_mode = #tpu.pipeline_mode<synchronous>, transform_indices = @transform_4, window_bounds = array<i64: 128, 128>}, {pipeline_mode = #tpu.pipeline_mode<synchronous>, transform_indices = @transform_5, window_bounds = array<i64: 1, 128>}, {transform_indices = @transform_6, window_bounds = array<i64: 1000, 128>}]} {
    %get3A = arith.constant 0 : index
    %get3A_0 = arith.constant 0 : index
    %get3A_1 = arith.constant 0 : index
    %get3A_2 = vector.load %arg1[%get3A, %get3A_0, %get3A_1] : memref<2x1000x128xf32, #tpu.memory_space<vmem>>, vector<1x1000x128xf32>
    %get3A_3 = vector.shape_cast %get3A_2 : vector<1x1000x128xf32> to vector<1000x128xf32>
    %get3A_4 = arith.constant 1 : index
    %get3A_5 = arith.constant 0 : index
    %get3A_6 = arith.constant 0 : index
    %get3A_7 = vector.load %arg1[%get3A_4, %get3A_5, %get3A_6] : memref<2x1000x128xf32, #tpu.memory_space<vmem>>, vector<1x1000x128xf32>
    %get3A_8 = vector.shape_cast %get3A_7 : vector<1x1000x128xf32> to vector<1000x128xf32>
    %add3A = arith.addf %get3A_3, %get3A_8 : vector<1000x128xf32>
    %get3A_9 = arith.constant 0 : index
    %get3A_10 = arith.constant 0 : index
    %get3A_11 = arith.constant 0 : index
    %get3A_12 = vector.load %arg2[%get3A_9, %get3A_10, %get3A_11] : memref<2x1000x128xf32, #tpu.memory_space<vmem>>, vector<1x1000x1xf32>
    %get3A_13 = vector.shape_cast %get3A_12 : vector<1x1000x1xf32> to vector<1000x1xf32>
    %get3A_14 = arith.constant 1 : index
    %get3A_15 = arith.constant 0 : index
    %get3A_16 = arith.constant 0 : index
    %get3A_17 = vector.load %arg2[%get3A_14, %get3A_15, %get3A_16] : memref<2x1000x128xf32, #tpu.memory_space<vmem>>, vector<1x1000x1xf32>
    %get3A_18 = vector.shape_cast %get3A_17 : vector<1x1000x1xf32> to vector<1000x1xf32>
    %add3A_19 = arith.addf %get3A_13, %get3A_18 : vector<1000x1xf32>
    %max3A = arith.constant 1.000000e+00 : f32
    %max3A_20 = vector.broadcast %max3A : f32 to vector<1000x1xf32>
    %max3A_21 = arith.maximumf %add3A_19, %max3A_20 : vector<1000x1xf32>
    %div3A = vector.broadcast %max3A_21 : vector<1000x1xf32> to vector<1000x128xf32>
    %div3A_22 = arith.divf %add3A, %div3A : vector<1000x128xf32>
    %get3A_23 = arith.constant 0 : index
    %get3A_24 = arith.constant 0 : index
    %get3A_25 = vector.load %arg4[%get3A_23, %get3A_24] : memref<128x128xf32, #tpu.memory_space<vmem>>, vector<128x128xf32>
    %dot_general3A = arith.constant dense<0.000000e+00> : vector<1000x128xf32>
    %dot_general3A_26 = tpu.matmul %div3A_22, %get3A_25, %dot_general3A {dimension_numbers = #tpu.dot_dimension_numbers<[1], [1], [0], [0], [0, 0, 1, 0], [], []>, transpose_lhs_hint = false} : vector<1000x128xf32>, vector<128x128xf32>, vector<1000x128xf32> -> vector<1000x128xf32>
    %get3A_27 = arith.constant 0 : index
    %get3A_28 = arith.constant 0 : index
    %get3A_29 = vector.load %arg3[%get3A_27, %get3A_28] : memref<1000x128xf32, #tpu.memory_space<vmem>>, vector<1000x128xf32>
    %get3A_30 = arith.constant 0 : index
    %get3A_31 = arith.constant 0 : index
    %get3A_32 = vector.load %arg5[%get3A_30, %get3A_31] : memref<128x128xf32, #tpu.memory_space<vmem>>, vector<128x128xf32>
    %dot_general3A_33 = arith.constant dense<0.000000e+00> : vector<1000x128xf32>
    %dot_general3A_34 = tpu.matmul %get3A_29, %get3A_32, %dot_general3A_33 {dimension_numbers = #tpu.dot_dimension_numbers<[1], [1], [0], [0], [0, 0, 1, 0], [], []>, transpose_lhs_hint = false} : vector<1000x128xf32>, vector<128x128xf32>, vector<1000x128xf32> -> vector<1000x128xf32>
    %add3A_35 = arith.addf %dot_general3A_26, %dot_general3A_34 : vector<1000x128xf32>
    %get3A_36 = arith.constant 0 : index
    %get3A_37 = arith.constant 0 : index
    %get3A_38 = vector.load %arg6[%get3A_36, %get3A_37] : memref<1x128xf32, #tpu.memory_space<vmem>>, vector<1x128xf32>
    %add3A_39 = vector.broadcast %get3A_38 : vector<1x128xf32> to vector<1000x128xf32>
    %add3A_40 = arith.addf %add3A_35, %add3A_39 : vector<1000x128xf32>
    %max3A_41 = arith.constant 0.000000e+00 : f32
    %max3A_42 = vector.broadcast %max3A_41 : f32 to vector<1000x128xf32>
    %max3A_43 = arith.maximumf %add3A_40, %max3A_42 : vector<1000x128xf32>
    %swap3A = arith.constant 0 : index
    %swap3A_44 = arith.constant 0 : index
    %swap3A_45 = vector.load %arg7[%swap3A, %swap3A_44] : memref<1000x128xf32, #tpu.memory_space<vmem>>, vector<1000x128xf32>
    tpu.vector_store %arg7[%swap3A, %swap3A_44], %max3A_43 {strides = array<i32>} : memref<1000x128xf32, #tpu.memory_space<vmem>>, vector<1000x128xf32>,
    return
  }
  func.func @transform_0(%arg0: i32) -> (i32, i32, i32) {
    %c0_i32 = arith.constant 0 : i32
    %c0_i32_0 = arith.constant 0 : i32
    %c0_i32_1 = arith.constant 0 : i32
    return %c0_i32, %arg0, %c0_i32_0 : i32, i32, i32
  }
  func.func @transform_1(%arg0: i32) -> (i32, i32, i32) {
    %c0_i32 = arith.constant 0 : i32
    %c0_i32_0 = arith.constant 0 : i32
    %c0_i32_1 = arith.constant 0 : i32
    return %c0_i32, %arg0, %c0_i32_0 : i32, i32, i32
  }
  func.func @transform_2(%arg0: i32) -> (i32, i32) {
    %c0_i32 = arith.constant 0 : i32
    %c0_i32_0 = arith.constant 0 : i32
    return %arg0, %c0_i32 : i32, i32
  }
  func.func @transform_3(%arg0: i32) -> (i32, i32) {
    %c0_i32 = arith.constant 0 : i32
    %c0_i32_0 = arith.constant 0 : i32
    %c0_i32_1 = arith.constant 0 : i32
    return %c0_i32, %c0_i32_0 : i32, i32
  }
  func.func @transform_4(%arg0: i32) -> (i32, i32) {
    %c0_i32 = arith.constant 0 : i32
    %c0_i32_0 = arith.constant 0 : i32
    %c0_i32_1 = arith.constant 0 : i32
    return %c0_i32, %c0_i32_0 : i32, i32
  }
  func.func @transform_5(%arg0: i32) -> (i32, i32) {
    %c0_i32 = arith.constant 0 : i32
    %c0_i32_0 = arith.constant 0 : i32
    %c0_i32_1 = arith.constant 0 : i32
    return %c0_i32, %c0_i32_0 : i32, i32
  }
  func.func @transform_6(%arg0: i32) -> (i32, i32) {
    %c0_i32 = arith.constant 0 : i32
    %c0_i32_0 = arith.constant 0 : i32
    return %arg0, %c0_i32 : i32, i32
  }
}

</mosaic_0001>

<sc_bundles>
// kernel: kernel.4.cloned.1.call-start
scs
__scs_entry_jumppad:
0x0: {  	(pc) =	sbr.rel $0x88, $3  }
0x1: {  	(tag) =	ssettag $0x0;
	lr =	simm.s32 $0x1  }
0x2: {  	[smem:$0x3F9C] =	sst lr;
	_ =	strace $0xD0000000  }
0x3: {  	_ = 	snop  }
0x4: {  	_ = 	snop  }
0x5: {  	_ = 	snop  }
0x6: {  	_ = 	snop  }
0x7: {  	_ = 	snop  }
__scs_overlays_trampoline_lowered:
0x8: {  	[smem:$0x3FAB] =	sst s0  }
0x9: {  	[smem:$0x3FAC] =	sst s1  }
0xa: {  	[smem:$0x3FAD] =	sst s2  }
0xb: {  	[smem:$0x3FAE] =	sst s3  }
0xc: {  	[smem:$0x3FAF] =	sst s4  }
0xd: {  	[smem:$0x3FB0] =	sst s5  }
0xe: {  	[smem:$0x3FB1] =	sst s6  }
0xf: {  	[smem:$0x3FB2] =	sst s7  }
0x10: {  	[smem:$0x3FB3] =	sst s8  }
0x11: {  	[smem:$0x3FB4] =	sst s9;
	s0 =	simm.s32 @!p0 $0x0  }
0x12: {  	s1 =	sld [smem:$0x3F9A];
	s0 =	simm.s32 @p0 $0x1  }
0x13: {  	[smem:$0x3FB5] =	sst s0;
	s0 =	simm.s32 @!p1 $0x0  }
0x14: {  	s2 =	sld [smem:$0x3F99];
	s0 =	simm.s32 @p1 $0x1  }
0x15: {  	[smem:$0x3FB6] =	sst s0;
	s0 =	simm.s32 @!p2 $0x0  }
0x16: {  	s3 =	sld [smem:$0x3FDB];
	s0 =	simm.s32 @p2 $0x1  }
0x17: {  	s4 =	simm.s32 $0x1BF5;
	[smem:$0x3FB8] =	sst s0  }
0x18: {  	s0 =	sld [smem:$0x3F9B];
	_ =	swait.ge [sflag:s4], $0x0  }
0x19: {  	s7 =	sld [smem:$0x3F9C]  }
0x1a: {  	s8 =	sadd.s32 $0xFFFFE003, lr  }
0x1b: {  	s9 =	sadd.s32 $0xFFFFFEF7, lr;
	s5 =	simm.s32 $0xFFFFFFFF;
	p2 =	slt.u32 s8, $0xFFFFF086  }
0x1c: {  	p1 =	slt.u32 s9, $0xF7A;
	s5 =	simm.s32 @!p2 $0x0  }
0x1d: {  	s5 =	simm.s32 @p1 $0x1;
	p0 =	seq.s32 s7, s2  }
0x1e: {  	s7 =	smul.u32 @!p0 $0xF7A, s2;
	p2 =	seq.s32 @!p0 s5, $0x0  }
0x1f: {  	s9 =	smul.u32 $0xF7A, s1;
	s8 =	simm.s32 @!p0 $0x1BF5;
	p2 =	por !p2, p0  }
0x20: {  	[sflag:s8] =	ssyncset.s32 @!p0 $0xFFFFF086;
	s6 =	sadd.s32 @!p0 s3, s7;
	s7 =	simm.s32 @!p0 $0x108  }
0x21: {  	s3 =	sadd.s32 s3, s9;
	s6 =	sadd.s32 @!p0 $0x88, s6;
	s7 =	simm.s32 @p2 $0x1082  }
0x22: {  	[simem:s7], [sflag:s8] =	dma.local @!p0 [hbm:s6], $0xF7A  }
0x23: {  	s9 =	sor.u32 $0xD0000000, s2;
	s6 =	simm.s32 $0x108;
	_ =	swait.ge @!p0 [sflag:s8], $0x0  }
0x24: {  	s3 =	sadd.s32 $0x88, s3;
	s6 =	simm.s32 @!p1 $0x1082;
	[sflag:s4] =	ssyncset.s32 $0xFFFFF086  }
0x25: {  	[simem:s6], [sflag:s4] =	dma.local [hbm:s3], $0xF7A  }
0x26: {  	[smem:$0x3F9C] =	sst s1;
	(tag) =	ssettag s2;
	_ =	strace s9  }
0x27: {  	s1 =	sld [smem:$0x3FAC]  }
0x28: {  	s2 =	sld [smem:$0x3FAD]  }
0x29: {  	s4 =	sld [smem:$0x3FAF]  }
0x2a: {  	p0 =	seq.s32 s5, $0x0;
	s5 =	sld [smem:$0x3FB0]  }
0x2b: {  	s6 =	sld [smem:$0x3FB1]  }
0x2c: {  	s7 =	sld [smem:$0x3FB2]  }
0x2d: {  	s3 =	simm.s32 $0x108;
	s8 =	sld [smem:$0x3FB3]  }
0x2e: {  	s3 =	simm.s32 @!p0 $0x1082;
	s9 =	sld [smem:$0x3FB4]  }
0x2f: {  	lr =	sadd.s32 s0, s3;
	s0 =	sld [smem:$0x3FAB]  }
0x30: {  	s3 =	sld [smem:$0x3FAE]  }
0x31: {  	[smem:$0x3FB7] =	sst s10  }
0x32: {  	s10 =	sld [smem:$0x3FB5];
	_ =	sdelay $0x3  }
0x33: {  	p0 =	seq.s32 s10, $0x1;
	s10 =	sld [smem:$0x3FB7];
	_ =	sdelay $0x3  }
0x34: {  	[smem:$0x3FB7] =	sst s10  }
0x35: {  	s10 =	sld [smem:$0x3FB6];
	_ =	sdelay $0x3  }
0x36: {  	p1 =	seq.s32 s10, $0x1;
	s10 =	sld [smem:$0x3FB7];
	_ =	sdelay $0x3  }
0x37: {  	[smem:$0x3FB7] =	sst s10  }
0x38: {  	s10 =	sld [smem:$0x3FB8]  }
0x39: {  	_ = 	snop;
	(pc) =	sbr.ind lr, $3  }
0x3a: {  	_ = 	snop  }
0x3b: {  	_ = 	snop  }
0x3c: {  	p2 =	seq.s32 s10, $0x1;
	s10 =	sld [smem:$0x3FB7]  }
0x3d: {  	_ =	shalt  }
0x3e: {  	_ =	shalt  }
0x3f: {  	_ =	shalt  }
0x40: {  	_ =	shalt  }
0x41: {  	_ =	shalt  }
0x42: {  	_ =	shalt  }
0x43: {  	_ =	shalt  }
0x44: {  	_ =	shalt  }
0x45: {  	_ =	shalt  }
0x46: {  	_ =	shalt  }
0x47: {  	_ =	shalt  }
0x48: {  	_ =	shalt  }
0x49: {  	_ =	shalt  }
0x4a: {  	_ =	shalt  }
0x4b: {  	_ =	shalt  }
0x4c: {  	_ =	shalt  }
0x4d: {  	_ =	shalt  }
0x4e: {  	_ =	shalt  }
0x4f: {  	_ =	shalt  }
0x50: {  	_ =	shalt  }
0x51: {  	_ =	shalt  }
0x52: {  	_ =	shalt  }
0x53: {  	_ =	shalt  }
0x54: {  	_ =	shalt  }
0x55: {  	_ =	shalt  }
0x56: {  	_ =	shalt  }
0x57: {  	_ =	shalt  }
0x58: {  	_ =	shalt  }
0x59: {  	_ =	shalt  }
0x5a: {  	_ =	shalt  }
0x5b: {  	_ =	shalt  }
0x5c: {  	_ =	shalt  }
0x5d: {  	_ =	shalt  }
0x5e: {  	_ =	shalt  }
0x5f: {  	_ =	shalt  }
0x60: {  	_ =	shalt  }
0x61: {  	_ =	shalt  }
0x62: {  	_ =	shalt  }
0x63: {  	_ =	shalt  }
0x64: {  	_ =	shalt  }
0x65: {  	_ =	shalt  }
0x66: {  	_ =	shalt  }
0x67: {  	_ =	shalt  }
0x68: {  	_ =	shalt  }
0x69: {  	_ =	shalt  }
0x6a: {  	_ =	shalt  }
0x6b: {  	_ =	shalt  }
0x6c: {  	_ =	shalt  }
0x6d: {  	_ =	shalt  }
0x6e: {  	_ =	shalt  }
0x6f: {  	_ =	shalt  }
0x70: {  	_ =	shalt  }
0x71: {  	_ =	shalt  }
0x72: {  	_ =	shalt  }
0x73: {  	_ =	shalt  }
0x74: {  	_ =	shalt  }
0x75: {  	_ =	shalt  }
0x76: {  	_ =	shalt  }
0x77: {  	_ =	shalt  }
0x78: {  	_ =	shalt  }
0x79: {  	_ =	shalt  }
0x7a: {  	_ =	shalt  }
0x7b: {  	_ =	shalt  }
0x7c: {  	_ =	shalt  }
0x7d: {  	_ =	shalt  }
0x7e: {  	_ =	shalt  }
0x7f: {  	_ =	shalt  }
0x80: {  	_ =	shalt  }
0x81: {  	_ =	shalt  }
0x82: {  	_ =	shalt  }
0x83: {  	_ =	shalt  }
0x84: {  	_ =	shalt  }
0x85: {  	_ =	shalt  }
0x86: {  	_ =	shalt  }
0x87: {  	_ =	shalt  }
.Lfunc_end0:
.L_simem_size_0:
called_computation_lowered:
.L_overlay_start_0:
0x88: {  	s2 =	sld [smem:$0x3FD9]  }
0x89: {  	s3 =	sld [smem:$0x3FFE];
	_ =	sdelay $0x1  }
0x8a: {  	s1 =	srdreg.scid  }
0x8b: {  	s0 =	sand.u32 $0x1, s1  }
0x8c: {  	s17 =	sshll.u32 s0, $0xA;
	s2 =	sadd.s32 s3, s2  }
0x8d: {  	s2 =	sadd.s32 s2, s17  }
0x8e: {  	[smem:$0x3FC3] =	sst s2  }
0x8f: {  	_ = 	snop  }
0x90: {  	s2 =	sld [smem:$0x3FC9]  }
0x91: {  	s18 =	sld [smem:$0x3FD0];
	(tm) =	ssettm $0x1  }
0x92: {  	s4 =	sld [smem:$0x3FFB];
	_ =	sdelay $0x3  }
0x93: {  	_ =	strace s4  }
0x94: {  	s4 =	sld [smem:$0x3FFC];
	_ =	sdelay $0x3  }
0x95: {  	_ =	strace s4  }
0x96: {  	s4 =	sld [smem:$0x3FFD];
	_ =	sdelay $0x3  }
0x97: {  	_ =	strace s4  }
0x98: {  	_ =	strace $0x8FFFFFFF  }
0x99: {  	s19 =	sld [smem:$0x3FDB];
	_ =	sdelay $0x1  }
0x9a: {  	s5 =	simm.s32 $_scs_section_size  }
0x9b: {  	s6 =	simm.s32 $_size__tile_overlayer_lowered;
	s7 =	simm.s32 $_tile_overlayer_lowered  }
0x9c: {  	s22 =	simm.s32 $0x1BFF;
	s21 =	sshll.u32 s7, $0x1;
	s4 =	sadd.s32 s5, s19  }
0x9d: {  	s8 =	simm.s32 $0x0;
	s20 =	sshll.u32 s6, $0x1;
	s6 =	sadd.s32 s21, s4  }
0x9e: {  	[timem:s8], [sflag:s22] =	dma.local [hbm:s6], s20  }
0x9f: {  	_ =	swait.ge [sflag:s22], s20  }
0xa0: {  	s5 =	ssub.s32 $0x0, s20;
	[sflag:s22] =	ssyncset.done $0x0  }
0xa1: {  	[sflag:s22] =	ssyncadd.s32 s5;
	_ =	sdelay $0x1  }
0xa2: {  	s23 =	simm.s32 $0x1B8B  }
0xa3: {  	_ =	swait.ge [sflag:s23], $0x1  }
0xa4: {  	[sflag:s23] =	ssyncset.done $0x0  }
0xa5: {  	s25 =	simm.s32 $0x1B8E;
	s24 =	sld [smem:$0x3FFE];
	[sflag:s23] =	ssyncadd.s32 $0xFFFFFFFF  }
0xa6: {  	s26 =	simm.s32 $execute0_lowered;
	[smem:$0x3FD2] =	sst s25  }
0xa7: {  	s6 =	sshll.u32 s26, $0x1;
	_ =	strace $0x80000046;
	[dreg:$0x1] =	wrdreg $0xFFFFFFFF  }
0xa8: {  	s28 =	simm.s32 $_size_execute0_lowered;
	s4 =	sadd.s32 s4, s6;
	[dreg:$0x0] =	wrdreg $0x0  }
0xa9: {  	s6 =	sshll.u32 s28, $0x1;
	[dreg:$0x2] =	wrdreg s4  }
0xaa: {  	[dreg:$0x3] =	wrdreg s6  }
0xab: {  	[dreg:$0x4] =	wrdreg $0xC0  }
0xac: {  	_ =	task [dreg:s8], $0x5FFFF  }
0xad: {  	[dreg:$0x1] =	wrdreg $0xFFFFFFFF  }
0xae: {  	[dreg:$0x0] =	wrdreg $0x60  }
0xaf: {  	[dreg:$0x2] =	wrdreg s2  }
0xb0: {  	[dreg:$0x3] =	wrdreg s18  }
0xb1: {  	[dreg:$0x4] =	wrdreg s24  }
0xb2: {  	[dreg:$0x5] =	wrdreg $0x88000  }
0xb3: {  	[dreg:$0x6] =	wrdreg $0x9  }
0xb4: {  	_ =	task.clear_ibuf [dreg:s8], $0x7FFFF;
	_ =	strace $0x90000046  }
0xb5: {  	s29 =	simm.s32 $0x9;
	_ =	strace $0x80000048  }
0xb6: {  	_ =	swait.ge [sflag:s29], $0x1  }
0xb7: {  	[sflag:s29] =	ssyncadd.s32 $0xFFFFFFFF  }
0xb8: {  	_ =	strace $0x90000048  }
0xb9: {  	_ =	sfence  }
0xba: {  	s30 =	sld [smem:$0x0];
	_ =	sdelay $0x2  }
0xbb: {  	s31 =	sshll.u32 s1, $0xD;
	s1 =	sshrl.u32 s1, $0x2  }
0xbc: {  	s3 =	sand.u32 $0x4000, s31;
	s1 =	sadd.s32 s1, s30  }
0xbd: {  	s0 =	sor.u32 s3, s0;
	s1 =	sshll.u32 s1, $0x11  }
0xbe: {  	s0 =	sor.u32 s1, s0  }
0xbf: {  	s0 =	sadd.s32 $0x8F2B, s0  }
0xc0: {  	[sflag:s0] =	ssyncadd.remote.s32 $0x1  }
0xc1: {  	_ =	sfence.sel $0xFFFF  }
0xc2: {  	[dreg:$0x0] =	wrdreg $0xFFFFFFFF;
	(pc) =	sbr.abs _section_cstart, $3  }
0xc3: {  	[dreg:$0x1] =	wrdreg $0xFFFFFFFF  }
0xc4: {  	_ =	task.clear_ibuf [dreg:s8], $0x2FFFF;
	_ =	strace $0x9FFFFFFF  }
0xc5: {  	(tm) =	ssettm $0x7FFFFFFF  }
tec
execute0_lowered:
.L_overlay_start_1:
0x0: {  	(tag) =	ssettag $0x1  }
0x1: {  	s1 =	rddreg [dreg:$0x0]  }
0x2: {  	s0 =	rddreg [dreg:$0x1]  }
0x3: {  	s2 =	rddreg [dreg:$0x2]  }
0x4: {  	s3 =	rddreg [dreg:$0x3]  }
0x5: {  	s4 =	simm.s32 $0x0;
	s14 =	stileid.u32;
	s5 =	srdreg.scid  }
0x6: {  	s28 =	simm.s32 $0x400;
	s29 =	simm.s32 $0x100;
	s30 =	simm.s32 $0x2  }
0x7: {  	s31 =	simm.s32 $0x480;
	[smem:$0x7FF] =	sst s4;
	s6 =	smul.u32 $0x4F000, s14  }
0x8: {  	s5 =	sand.u32 $0x1, s5;
	s7 =	smul.u32 $0x13C00, s14;
	s8 =	sadd.s32 $0x1000, s2  }
0x9: {  	s2 =	sadd.s32 $0x50000, s2;
	s21 =	smul.u32 $0x5000, s14;
	s14 =	simm.s32 $0x300  }
0xa: {  	_ =	strace $0x80000047;
	s9 =	ssub.s32 $0x2, s5;
	s12 =	smul.u32 $0x13C000, s5  }
0xb: {  	s5 =	smul.u32 $0x50000, s5;
	s10 =	sshrl.u32 s9, $0x1;
	s6 =	sshrl.u32 s6, $0x2  }
0xc: {  	s11 =	sadd.s32 $0x4000, s7;
	s16 =	sadd.s32 $0xC000, s7;
	s18 =	sadd.s32 $0x10000, s7  }
0xd: {  	s9 =	ssub.s32 s9, s10;
	s6 =	sadd.s32 s6, s3;
	s26 =	sadd.s32 s11, s3  }
0xe: {  	s10 =	sadd.s32 $0x8000, s7;
	s17 =	sadd.s32 s16, s3;
	[dreg:$0x5] =	wrdreg s6  }
0xf: {  	s15 =	sadd.s32 s18, s3;
	s7 =	sadd.s32 s7, s12;
	[dreg:$0x6] =	wrdreg s26  }
0x10: {  	s11 =	sadd.s32 s12, s11;
	s5 =	sadd.s32 s21, s5;
	[dreg:$0x8] =	wrdreg s17  }
0x11: {  	s13 =	sadd.s32 s10, s3;
	[dreg:$0x9] =	wrdreg s15;
	s7 =	sshrl.u32 s7, $0x3  }
0x12: {  	s11 =	sshrl.u32 s11, $0x3;
	s6 =	sadd.s32 s12, s10;
	s10 =	sadd.s32 s12, s16  }
0x13: {  	s12 =	sadd.s32 s12, s18;
	s5 =	sshrl.u32 s5, $0x3;
	s26 =	smax.u32 s9, $0x1  }
0x14: {  	s15 =	simm.s32 $0x680;
	s16 =	simm.s32 $0x380;
	s17 =	simm.s32 $0x700  }
0x15: {  	s18 =	simm.s32 $0x780;
	[dreg:$0x7] =	wrdreg s13;
	s19 =	sadd.s32 s8, s7  }
0x16: {  	s20 =	sadd.s32 s8, s11;
	s6 =	sshrl.u32 s6, $0x3;
	[dreg:$0x14] =	wrdreg s26  }
0x17: {  	s10 =	sshrl.u32 s10, $0x3;
	s12 =	sshrl.u32 s12, $0x3;
	[dreg:$0xa] =	wrdreg s19  }
0x18: {  	s7 =	sadd.s32 s2, s7;
	s24 =	sadd.s32 s2, s11;
	[dreg:$0xb] =	wrdreg s20  }
0x19: {  	s21 =	sadd.s32 s5, s0;
	s26 =	simm.s32 $0x1;
	[dreg:$0xf] =	wrdreg s7  }
0x1a: {  	s0 =	simm.s32 $0x180;
	s22 =	sadd.s32 s8, s6;
	[dreg:$0x10] =	wrdreg s24  }
0x1b: {  	s11 =	simm.s32 $0x580;
	s23 =	sadd.s32 s8, s10;
	[dreg:$0xc] =	wrdreg s22  }
0x1c: {  	s13 =	simm.s32 $0x600;
	s8 =	sadd.s32 s8, s12;
	[dreg:$0xd] =	wrdreg s23  }
0x1d: {  	s6 =	sadd.s32 s2, s6;
	s25 =	sadd.s32 s2, s10;
	[dreg:$0xe] =	wrdreg s8  }
0x1e: {  	s2 =	sadd.s32 s2, s12;
	s24 =	simm.s32 $0x80;
	[dreg:$0x11] =	wrdreg s6  }
0x1f: {  	s10 =	simm.s32 $0x200;
	s12 =	simm.s32 $0x280;
	[dreg:$0x12] =	wrdreg s25  }
0x20: {  	s19 =	simm.s32 $0x0;
	[dreg:$0x13] =	wrdreg s2;
	s22 =	simm.s32 $0x800  }
0x21: {  	v0 =	vimm.f32 $0.0e+00;
	v1 =	vimm.f32 $1.000000000e+00;
	s23 =	simm.s32 $0x3;
	s25 =	simm.s32 $0x4800;
	s2 =	simm.s32 $0x500  }
.LBB2_1:
0x22: {  	s5 =	simm.s32 $0x0;
	s6 =	simm.s32 $0x200  }
.LBB2_2:
0x23: {  	p0 =	sne.s32 s6, $0xFE00;
	[tilespmem:s5+$0x870] =	vst v0  }
0x24: {  	[tilespmem:s5+$0x800] =	vst v0  }
0x25: {  	[tilespmem:s5+$0x810] =	vst v0  }
.Ltmp0:
0x26: {  	[tilespmem:s5+$0x820] =	vst v0;
	(pc) =	sbr.rel @p0 .LBB2_2-.Ltmp0, $4  }
0x27: {  	[tilespmem:s5+$0x830] =	vst v0  }
0x28: {  	[tilespmem:s5+$0x840] =	vst v0  }
0x29: {  	[tilespmem:s5+$0x850] =	vst v0  }
0x2a: {  	[tilespmem:s5+$0x860] =	vst v0;
	s5 =	sshra.s32 s6, $0x2;
	s6 =	sadd.s32 $0x200, s6  }
0x2b: {  	[tilespmem:s5+$0x870] =	vst v0  }
0x2c: {  	[tilespmem:s5+$0x800] =	vst v0  }
0x2d: {  	[tilespmem:s5+$0x810] =	vst v0  }
0x2e: {  	[tilespmem:s5+$0x820] =	vst v0  }
0x2f: {  	[tilespmem:s5+$0x830] =	vst v0  }
0x30: {  	[tilespmem:s5+$0x840] =	vst v0  }
0x31: {  	[tilespmem:s5+$0x850] =	vst v0  }
0x32: {  	[tilespmem:s5+$0x860] =	vst v0;
	s20 =	rddreg [dreg:$0x5]  }
0x33: {  	[spmem:s20] =	stream.linear.scatter [tilespmem:s22], [sflag:$0x3], $0x4000, $0x38;
	[tilespmem:$0x1C400] =	vst v63  }
0x34: {  	_ =	swait.ge [sflag:s23], $0x4000  }
0x35: {  	[sflag:s23] =	ssyncset.done $0x0  }
0x36: {  	s6 =	rddreg [dreg:$0x6];
	[sflag:s23] =	ssyncadd.s32 $0xFFFFC000  }
0x37: {  	[spmem:s6] =	stream.linear.scatter [tilespmem:s22], [sflag:$0x3], $0x4000, $0x38;
	[tilespmem:$0x1C400] =	vst v63  }
0x38: {  	_ =	swait.ge [sflag:s23], $0x4000  }
0x39: {  	[sflag:s23] =	ssyncset.done $0x0  }
0x3a: {  	s7 =	rddreg [dreg:$0x7];
	[sflag:s23] =	ssyncadd.s32 $0xFFFFC000  }
0x3b: {  	[spmem:s7] =	stream.linear.scatter [tilespmem:s22], [sflag:$0x3], $0x4000, $0x38;
	[tilespmem:$0x1C400] =	vst v63  }
0x3c: {  	_ =	swait.ge [sflag:s23], $0x4000  }
0x3d: {  	[sflag:s23] =	ssyncset.done $0x0  }
0x3e: {  	s8 =	rddreg [dreg:$0x8];
	[sflag:s23] =	ssyncadd.s32 $0xFFFFC000  }
0x3f: {  	[spmem:s8] =	stream.linear.scatter [tilespmem:s22], [sflag:$0x3], $0x4000, $0x38;
	[tilespmem:$0x1C400] =	vst v63  }
0x40: {  	_ =	swait.ge [sflag:s23], $0x4000  }
0x41: {  	[sflag:s23] =	ssyncset.done $0x0  }
0x42: {  	s9 =	rddreg [dreg:$0x9];
	[sflag:s23] =	ssyncadd.s32 $0xFFFFC000  }
0x43: {  	[spmem:s9] =	stream.linear.scatter [tilespmem:s22], [sflag:$0x3], $0x3C00, $0x38;
	[tilespmem:$0x1C400] =	vst v63  }
0x44: {  	_ =	swait.ge [sflag:s23], $0x3C00  }
0x45: {  	[sflag:s23] =	ssyncset.done $0x0  }
0x46: {  	[sflag:s23] =	ssyncadd.s32 $0xFFFFC400  }
0x47: {  	s20 =	sadd.s32 $0x0, s21;
	[bflag:$0x0] =	sbarrier.arrive $0xFFFF  }
0x48: {  	[tilespmem:s4], [sflag:$0x3] =	stream.linear.gather [hbm4b:s20+s4], $0x800, $0x38;
	[tilespmem:$0x1C400] =	vst v63  }
0x49: {  	_ =	swait.ge [sflag:s23], $0x800  }
0x4a: {  	[sflag:s23] =	ssyncset.done $0x0  }
0x4b: {  	[sflag:s23] =	ssyncadd.s32 $0xFFFFF800  }
0x4c: {  	[tilespmem:s22], [sflag:$0x1] =	stream.indirect.gather [hbm4b:s1+s24], $0x80, s4, s24, $0xb8;
	[tilespmem:$0x1C400] =	vst v63  }
0x4d: {  	_ = 	snop  }
0x4e: {  	[tilespmem:s25], [sflag:$0x2] =	stream.indirect.gather [hbm4b:s1+s24], $0x80, s24, s24, $0xb8;
	[tilespmem:$0x1C400] =	vst v63  }
0x4f: {  	_ =	swait.ge [sflag:s26], $0x4000  }
0x50: {  	[sflag:s26] =	ssyncset.done $0x0  }
0x51: {  	[sflag:s26] =	ssyncadd.s32 $0xFFFFC000  }
0x52: {  	[spmem:s3] =	stream.indirect.scatter.add.f32 [tilespmem:s22], [sflag:$0x3], $0x80, s28, s24, $0xb8;
	[tilespmem:$0x1C400] =	vst v63  }
0x53: {  	_ =	swait.ge [sflag:s23], $0x4000  }
0x54: {  	[sflag:s23] =	ssyncset.done $0x0  }
0x55: {  	[sflag:s23] =	ssyncadd.s32 $0xFFFFC000  }
0x56: {  	[tilespmem:s22], [sflag:$0x1] =	stream.indirect.gather [hbm4b:s1+s24], $0x80, s29, s24, $0xb8;
	[tilespmem:$0x1C400] =	vst v63  }
0x57: {  	_ =	swait.ge [sflag:s30], $0x4000  }
0x58: {  	[sflag:s30] =	ssyncset.done $0x0  }
0x59: {  	[sflag:s30] =	ssyncadd.s32 $0xFFFFC000  }
0x5a: {  	[spmem:s3] =	stream.indirect.scatter.add.f32 [tilespmem:s25], [sflag:$0x3], $0x80, s31, s24, $0xb8;
	[tilespmem:$0x1C400] =	vst v63  }
0x5b: {  	_ =	swait.ge [sflag:s23], $0x4000  }
0x5c: {  	[sflag:s23] =	ssyncset.done $0x0  }
0x5d: {  	[sflag:s23] =	ssyncadd.s32 $0xFFFFC000  }
0x5e: {  	[tilespmem:s25], [sflag:$0x2] =	stream.indirect.gather [hbm4b:s1+s24], $0x80, s0, s24, $0xb8;
	[tilespmem:$0x1C400] =	vst v63  }
0x5f: {  	_ =	swait.ge [sflag:s26], $0x4000  }
0x60: {  	[sflag:s26] =	ssyncset.done $0x0  }
0x61: {  	[sflag:s26] =	ssyncadd.s32 $0xFFFFC000  }
0x62: {  	[spmem:s3] =	stream.indirect.scatter.add.f32 [tilespmem:s22], [sflag:$0x3], $0x80, s2, s24, $0xb8;
	[tilespmem:$0x1C400] =	vst v63  }
0x63: {  	_ =	swait.ge [sflag:s23], $0x4000  }
0x64: {  	[sflag:s23] =	ssyncset.done $0x0  }
0x65: {  	[sflag:s23] =	ssyncadd.s32 $0xFFFFC000  }
0x66: {  	[tilespmem:s22], [sflag:$0x1] =	stream.indirect.gather [hbm4b:s1+s24], $0x80, s10, s24, $0xb8;
	[tilespmem:$0x1C400] =	vst v63  }
0x67: {  	_ =	swait.ge [sflag:s30], $0x4000  }
0x68: {  	[sflag:s30] =	ssyncset.done $0x0  }
0x69: {  	[sflag:s30] =	ssyncadd.s32 $0xFFFFC000  }
0x6a: {  	[spmem:s3] =	stream.indirect.scatter.add.f32 [tilespmem:s25], [sflag:$0x3], $0x80, s11, s24, $0xb8;
	[tilespmem:$0x1C400] =	vst v63  }
0x6b: {  	_ =	swait.ge [sflag:s23], $0x4000  }
0x6c: {  	[sflag:s23] =	ssyncset.done $0x0  }
0x6d: {  	[sflag:s23] =	ssyncadd.s32 $0xFFFFC000  }
0x6e: {  	[tilespmem:s25], [sflag:$0x2] =	stream.indirect.gather [hbm4b:s1+s24], $0x80, s12, s24, $0xb8;
	[tilespmem:$0x1C400] =	vst v63  }
0x6f: {  	_ =	swait.ge [sflag:s26], $0x4000  }
0x70: {  	[sflag:s26] =	ssyncset.done $0x0  }
0x71: {  	[sflag:s26] =	ssyncadd.s32 $0xFFFFC000  }
0x72: {  	[spmem:s3] =	stream.indirect.scatter.add.f32 [tilespmem:s22], [sflag:$0x3], $0x80, s13, s24, $0xb8;
	[tilespmem:$0x1C400] =	vst v63  }
0x73: {  	_ =	swait.ge [sflag:s23], $0x4000  }
0x74: {  	[sflag:s23] =	ssyncset.done $0x0  }
0x75: {  	[sflag:s23] =	ssyncadd.s32 $0xFFFFC000  }
0x76: {  	[tilespmem:s22], [sflag:$0x1] =	stream.indirect.gather [hbm4b:s1+s24], $0x80, s14, s24, $0xb8;
	[tilespmem:$0x1C400] =	vst v63  }
0x77: {  	_ =	swait.ge [sflag:s30], $0x4000  }
0x78: {  	[sflag:s30] =	ssyncset.done $0x0  }
0x79: {  	[sflag:s30] =	ssyncadd.s32 $0xFFFFC000  }
0x7a: {  	[spmem:s3] =	stream.indirect.scatter.add.f32 [tilespmem:s25], [sflag:$0x3], $0x80, s15, s24, $0xb8;
	[tilespmem:$0x1C400] =	vst v63  }
0x7b: {  	_ =	swait.ge [sflag:s23], $0x4000  }
0x7c: {  	[sflag:s23] =	ssyncset.done $0x0  }
0x7d: {  	[sflag:s23] =	ssyncadd.s32 $0xFFFFC000  }
0x7e: {  	[tilespmem:s25], [sflag:$0x2] =	stream.indirect.gather [hbm4b:s1+s24], $0x80, s16, s24, $0xb8;
	[tilespmem:$0x1C400] =	vst v63  }
0x7f: {  	_ =	swait.ge [sflag:s26], $0x4000  }
0x80: {  	[sflag:s26] =	ssyncset.done $0x0  }
0x81: {  	[sflag:s26] =	ssyncadd.s32 $0xFFFFC000  }
0x82: {  	[spmem:s3] =	stream.indirect.scatter.add.f32 [tilespmem:s22], [sflag:$0x3], $0x80, s17, s24, $0xb8;
	[tilespmem:$0x1C400] =	vst v63  }
0x83: {  	_ =	swait.ge [sflag:s23], $0x4000  }
0x84: {  	[sflag:s23] =	ssyncset.done $0x0  }
0x85: {  	[sflag:s23] =	ssyncadd.s32 $0xFFFFC000  }
0x86: {  	_ =	swait.ge [sflag:s30], $0x4000  }
0x87: {  	[sflag:s30] =	ssyncset.done $0x0  }
0x88: {  	[sflag:s30] =	ssyncadd.s32 $0xFFFFC000  }
0x89: {  	[spmem:s3] =	stream.indirect.scatter.add.f32 [tilespmem:s25], [sflag:$0x3], $0x80, s18, s24, $0xb8;
	[tilespmem:$0x1C400] =	vst v63  }
0x8a: {  	_ =	swait.ge [sflag:s23], $0x4000  }
0x8b: {  	s5 =	simm.s32 $0x100;
	s7 =	simm.s32 $0x200;
	[sflag:s23] =	ssyncset.done $0x0  }
.LBB2_4:
0x8c: {  	s8 =	sadd.s32 s5, s21  }
0x8d: {  	[sflag:s23] =	ssyncadd.s32 $0xFFFFC000;
	s5 =	smov.u32 s7;
	s6 =	sadd.s32 $0x100, s7  }
0x8e: {  	[tilespmem:s4], [sflag:$0x3] =	stream.linear.gather [hbm4b:s8+s4], $0x800, $0x38;
	[tilespmem:$0x1C400] =	vst v63  }
0x8f: {  	p0 =	sne.s32 s7, $0x900;
	_ =	swait.ge [sflag:s23], $0x800  }
0x90: {  	[sflag:s23] =	ssyncset.done $0x0  }
0x91: {  	[sflag:s23] =	ssyncadd.s32 $0xFFFFF800  }
0x92: {  	[tilespmem:s22], [sflag:$0x1] =	stream.indirect.gather [hbm4b:s1+s24], $0x80, s4, s24, $0xb8;
	[tilespmem:$0x1C400] =	vst v63  }
0x93: {  	_ = 	snop  }
0x94: {  	[tilespmem:s25], [sflag:$0x2] =	stream.indirect.gather [hbm4b:s1+s24], $0x80, s24, s24, $0xb8;
	[tilespmem:$0x1C400] =	vst v63  }
0x95: {  	_ =	swait.ge [sflag:s26], $0x4000  }
0x96: {  	[sflag:s26] =	ssyncset.done $0x0  }
0x97: {  	[sflag:s26] =	ssyncadd.s32 $0xFFFFC000  }
0x98: {  	[spmem:s3] =	stream.indirect.scatter.add.f32 [tilespmem:s22], [sflag:$0x3], $0x80, s28, s24, $0xb8;
	[tilespmem:$0x1C400] =	vst v63  }
0x99: {  	_ =	swait.ge [sflag:s23], $0x4000  }
0x9a: {  	[sflag:s23] =	ssyncset.done $0x0  }
0x9b: {  	[sflag:s23] =	ssyncadd.s32 $0xFFFFC000  }
0x9c: {  	[tilespmem:s22], [sflag:$0x1] =	stream.indirect.gather [hbm4b:s1+s24], $0x80, s29, s24, $0xb8;
	[tilespmem:$0x1C400] =	vst v63  }
0x9d: {  	_ =	swait.ge [sflag:s30], $0x4000  }
0x9e: {  	[sflag:s30] =	ssyncset.done $0x0  }
0x9f: {  	[sflag:s30] =	ssyncadd.s32 $0xFFFFC000  }
0xa0: {  	[spmem:s3] =	stream.indirect.scatter.add.f32 [tilespmem:s25], [sflag:$0x3], $0x80, s31, s24, $0xb8;
	[tilespmem:$0x1C400] =	vst v63  }
0xa1: {  	_ =	swait.ge [sflag:s23], $0x4000  }
0xa2: {  	[sflag:s23] =	ssyncset.done $0x0  }
0xa3: {  	[sflag:s23] =	ssyncadd.s32 $0xFFFFC000  }
0xa4: {  	[tilespmem:s25], [sflag:$0x2] =	stream.indirect.gather [hbm4b:s1+s24], $0x80, s0, s24, $0xb8;
	[tilespmem:$0x1C400] =	vst v63  }
0xa5: {  	_ =	swait.ge [sflag:s26], $0x4000  }
0xa6: {  	[sflag:s26] =	ssyncset.done $0x0  }
0xa7: {  	[sflag:s26] =	ssyncadd.s32 $0xFFFFC000  }
0xa8: {  	[spmem:s3] =	stream.indirect.scatter.add.f32 [tilespmem:s22], [sflag:$0x3], $0x80, s2, s24, $0xb8;
	[tilespmem:$0x1C400] =	vst v63  }
0xa9: {  	_ =	swait.ge [sflag:s23], $0x4000  }
0xaa: {  	[sflag:s23] =	ssyncset.done $0x0  }
0xab: {  	[sflag:s23] =	ssyncadd.s32 $0xFFFFC000  }
0xac: {  	[tilespmem:s22], [sflag:$0x1] =	stream.indirect.gather [hbm4b:s1+s24], $0x80, s10, s24, $0xb8;
	[tilespmem:$0x1C400] =	vst v63  }
0xad: {  	_ =	swait.ge [sflag:s30], $0x4000  }
0xae: {  	[sflag:s30] =	ssyncset.done $0x0  }
0xaf: {  	[sflag:s30] =	ssyncadd.s32 $0xFFFFC000  }
0xb0: {  	[spmem:s3] =	stream.indirect.scatter.add.f32 [tilespmem:s25], [sflag:$0x3], $0x80, s11, s24, $0xb8;
	[tilespmem:$0x1C400] =	vst v63  }
0xb1: {  	_ =	swait.ge [sflag:s23], $0x4000  }
0xb2: {  	[sflag:s23] =	ssyncset.done $0x0  }
0xb3: {  	[sflag:s23] =	ssyncadd.s32 $0xFFFFC000  }
0xb4: {  	[tilespmem:s25], [sflag:$0x2] =	stream.indirect.gather [hbm4b:s1+s24], $0x80, s12, s24, $0xb8;
	[tilespmem:$0x1C400] =	vst v63  }
0xb5: {  	_ =	swait.ge [sflag:s26], $0x4000  }
0xb6: {  	[sflag:s26] =	ssyncset.done $0x0  }
0xb7: {  	[sflag:s26] =	ssyncadd.s32 $0xFFFFC000  }
0xb8: {  	[spmem:s3] =	stream.indirect.scatter.add.f32 [tilespmem:s22], [sflag:$0x3], $0x80, s13, s24, $0xb8;
	[tilespmem:$0x1C400] =	vst v63  }
0xb9: {  	_ =	swait.ge [sflag:s23], $0x4000  }
0xba: {  	[sflag:s23] =	ssyncset.done $0x0  }
0xbb: {  	[sflag:s23] =	ssyncadd.s32 $0xFFFFC000  }
0xbc: {  	[tilespmem:s22], [sflag:$0x1] =	stream.indirect.gather [hbm4b:s1+s24], $0x80, s14, s24, $0xb8;
	[tilespmem:$0x1C400] =	vst v63  }
0xbd: {  	_ =	swait.ge [sflag:s30], $0x4000  }
0xbe: {  	[sflag:s30] =	ssyncset.done $0x0  }
0xbf: {  	[sflag:s30] =	ssyncadd.s32 $0xFFFFC000  }
0xc0: {  	[spmem:s3] =	stream.indirect.scatter.add.f32 [tilespmem:s25], [sflag:$0x3], $0x80, s15, s24, $0xb8;
	[tilespmem:$0x1C400] =	vst v63  }
0xc1: {  	_ =	swait.ge [sflag:s23], $0x4000  }
0xc2: {  	[sflag:s23] =	ssyncset.done $0x0  }
0xc3: {  	[sflag:s23] =	ssyncadd.s32 $0xFFFFC000  }
0xc4: {  	[tilespmem:s25], [sflag:$0x2] =	stream.indirect.gather [hbm4b:s1+s24], $0x80, s16, s24, $0xb8;
	[tilespmem:$0x1C400] =	vst v63  }
0xc5: {  	_ =	swait.ge [sflag:s26], $0x4000  }
0xc6: {  	[sflag:s26] =	ssyncset.done $0x0  }
0xc7: {  	[sflag:s26] =	ssyncadd.s32 $0xFFFFC000  }
0xc8: {  	[spmem:s3] =	stream.indirect.scatter.add.f32 [tilespmem:s22], [sflag:$0x3], $0x80, s17, s24, $0xb8;
	[tilespmem:$0x1C400] =	vst v63  }
0xc9: {  	_ =	swait.ge [sflag:s23], $0x4000  }
0xca: {  	[sflag:s23] =	ssyncset.done $0x0  }
0xcb: {  	[sflag:s23] =	ssyncadd.s32 $0xFFFFC000  }
0xcc: {  	_ =	swait.ge [sflag:s30], $0x4000  }
.Ltmp1:
0xcd: {  	[sflag:s30] =	ssyncset.done $0x0;
	(pc) =	sbr.rel @p0 .LBB2_4-.Ltmp1, $4  }
0xce: {  	[sflag:s30] =	ssyncadd.s32 $0xFFFFC000  }
0xcf: {  	[spmem:s3] =	stream.indirect.scatter.add.f32 [tilespmem:s25], [sflag:$0x3], $0x80, s18, s24, $0xb8;
	[tilespmem:$0x1C400] =	vst v63  }
0xd0: {  	_ =	swait.ge [sflag:s23], $0x4000  }
0xd1: {  	s7 =	smov.u32 s6;
	[sflag:s23] =	ssyncset.done $0x0  }
0xd2: {  	s5 =	sadd.s32 s5, s21;
	[sflag:s23] =	ssyncadd.s32 $0xFFFFC000  }
0xd3: {  	[tilespmem:s4], [sflag:$0x3] =	stream.linear.gather [hbm4b:s5+s4], $0x800, $0x38;
	[tilespmem:$0x1C400] =	vst v63  }
0xd4: {  	_ =	swait.ge [sflag:s23], $0x800  }
0xd5: {  	[sflag:s23] =	ssyncset.done $0x0  }
0xd6: {  	[sflag:s23] =	ssyncadd.s32 $0xFFFFF800  }
0xd7: {  	[tilespmem:s22], [sflag:$0x1] =	stream.indirect.gather [hbm4b:s1+s24], $0x80, s4, s24, $0xb8;
	[tilespmem:$0x1C400] =	vst v63  }
0xd8: {  	_ = 	snop  }
0xd9: {  	[tilespmem:s25], [sflag:$0x2] =	stream.indirect.gather [hbm4b:s1+s24], $0x80, s24, s24, $0xb8;
	[tilespmem:$0x1C400] =	vst v63  }
0xda: {  	_ =	swait.ge [sflag:s26], $0x4000  }
0xdb: {  	[sflag:s26] =	ssyncset.done $0x0  }
0xdc: {  	[sflag:s26] =	ssyncadd.s32 $0xFFFFC000  }
0xdd: {  	[spmem:s3] =	stream.indirect.scatter.add.f32 [tilespmem:s22], [sflag:$0x3], $0x80, s28, s24, $0xb8;
	[tilespmem:$0x1C400] =	vst v63  }
0xde: {  	_ =	swait.ge [sflag:s23], $0x4000  }
0xdf: {  	[sflag:s23] =	ssyncset.done $0x0  }
0xe0: {  	[sflag:s23] =	ssyncadd.s32 $0xFFFFC000  }
0xe1: {  	[tilespmem:s22], [sflag:$0x1] =	stream.indirect.gather [hbm4b:s1+s24], $0x80, s29, s24, $0xb8;
	[tilespmem:$0x1C400] =	vst v63  }
0xe2: {  	_ =	swait.ge [sflag:s30], $0x4000  }
0xe3: {  	[sflag:s30] =	ssyncset.done $0x0  }
0xe4: {  	[sflag:s30] =	ssyncadd.s32 $0xFFFFC000  }
0xe5: {  	[spmem:s3] =	stream.indirect.scatter.add.f32 [tilespmem:s25], [sflag:$0x3], $0x80, s31, s24, $0xb8;
	[tilespmem:$0x1C400] =	vst v63  }
0xe6: {  	_ =	swait.ge [sflag:s23], $0x4000  }
0xe7: {  	[sflag:s23] =	ssyncset.done $0x0  }
0xe8: {  	[sflag:s23] =	ssyncadd.s32 $0xFFFFC000  }
0xe9: {  	[tilespmem:s25], [sflag:$0x2] =	stream.indirect.gather [hbm4b:s1+s24], $0x80, s0, s24, $0xb8;
	[tilespmem:$0x1C400] =	vst v63  }
0xea: {  	_ =	swait.ge [sflag:s26], $0x4000  }
0xeb: {  	[sflag:s26] =	ssyncset.done $0x0  }
0xec: {  	[sflag:s26] =	ssyncadd.s32 $0xFFFFC000  }
0xed: {  	[spmem:s3] =	stream.indirect.scatter.add.f32 [tilespmem:s22], [sflag:$0x3], $0x80, s2, s24, $0xb8;
	[tilespmem:$0x1C400] =	vst v63  }
0xee: {  	_ =	swait.ge [sflag:s23], $0x4000  }
0xef: {  	[sflag:s23] =	ssyncset.done $0x0  }
0xf0: {  	[sflag:s23] =	ssyncadd.s32 $0xFFFFC000  }
0xf1: {  	[tilespmem:s22], [sflag:$0x1] =	stream.indirect.gather [hbm4b:s1+s24], $0x80, s10, s24, $0xb8;
	[tilespmem:$0x1C400] =	vst v63  }
0xf2: {  	_ =	swait.ge [sflag:s30], $0x4000  }
0xf3: {  	[sflag:s30] =	ssyncset.done $0x0  }
0xf4: {  	[sflag:s30] =	ssyncadd.s32 $0xFFFFC000  }
0xf5: {  	[spmem:s3] =	stream.indirect.scatter.add.f32 [tilespmem:s25], [sflag:$0x3], $0x80, s11, s24, $0xb8;
	[tilespmem:$0x1C400] =	vst v63  }
0xf6: {  	_ =	swait.ge [sflag:s23], $0x4000  }
0xf7: {  	[sflag:s23] =	ssyncset.done $0x0  }
0xf8: {  	[sflag:s23] =	ssyncadd.s32 $0xFFFFC000  }
0xf9: {  	[tilespmem:s25], [sflag:$0x2] =	stream.indirect.gather [hbm4b:s1+s24], $0x80, s12, s24, $0xb8;
	[tilespmem:$0x1C400] =	vst v63  }
0xfa: {  	_ =	swait.ge [sflag:s26], $0x4000  }
0xfb: {  	[sflag:s26] =	ssyncset.done $0x0  }
0xfc: {  	[sflag:s26] =	ssyncadd.s32 $0xFFFFC000  }
0xfd: {  	[spmem:s3] =	stream.indirect.scatter.add.f32 [tilespmem:s22], [sflag:$0x3], $0x80, s13, s24, $0xb8;
	[tilespmem:$0x1C400] =	vst v63  }
0xfe: {  	_ =	swait.ge [sflag:s23], $0x4000  }
0xff: {  	[sflag:s23] =	ssyncset.done $0x0  }
0x100: {  	[sflag:s23] =	ssyncadd.s32 $0xFFFFC000  }
0x101: {  	[tilespmem:s22], [sflag:$0x1] =	stream.indirect.gather [hbm4b:s1+s24], $0x80, s14, s24, $0xb8;
	[tilespmem:$0x1C400] =	vst v63  }
0x102: {  	_ =	swait.ge [sflag:s30], $0x4000  }
0x103: {  	[sflag:s30] =	ssyncset.done $0x0  }
0x104: {  	[sflag:s30] =	ssyncadd.s32 $0xFFFFC000  }
0x105: {  	[spmem:s3] =	stream.indirect.scatter.add.f32 [tilespmem:s25], [sflag:$0x3], $0x80, s15, s24, $0xb8;
	[tilespmem:$0x1C400] =	vst v63  }
0x106: {  	_ =	swait.ge [sflag:s23], $0x4000  }
0x107: {  	[sflag:s23] =	ssyncset.done $0x0  }
0x108: {  	[sflag:s23] =	ssyncadd.s32 $0xFFFFC000  }
0x109: {  	[tilespmem:s25], [sflag:$0x2] =	stream.indirect.gather [hbm4b:s1+s24], $0x80, s16, s24, $0xb8;
	[tilespmem:$0x1C400] =	vst v63  }
0x10a: {  	_ =	swait.ge [sflag:s26], $0x4000  }
0x10b: {  	[sflag:s26] =	ssyncset.done $0x0  }
0x10c: {  	[sflag:s26] =	ssyncadd.s32 $0xFFFFC000  }
0x10d: {  	[spmem:s3] =	stream.indirect.scatter.add.f32 [tilespmem:s22], [sflag:$0x3], $0x80, s17, s24, $0xb8;
	[tilespmem:$0x1C400] =	vst v63  }
0x10e: {  	_ =	swait.ge [sflag:s23], $0x4000  }
0x10f: {  	[sflag:s23] =	ssyncset.done $0x0  }
0x110: {  	[sflag:s23] =	ssyncadd.s32 $0xFFFFC000  }
0x111: {  	_ =	swait.ge [sflag:s30], $0x4000  }
0x112: {  	[sflag:s30] =	ssyncset.done $0x0  }
0x113: {  	[sflag:s30] =	ssyncadd.s32 $0xFFFFC000  }
0x114: {  	[spmem:s3] =	stream.indirect.scatter.add.f32 [tilespmem:s25], [sflag:$0x3], $0x80, s18, s24, $0xb8;
	[tilespmem:$0x1C400] =	vst v63  }
0x115: {  	_ =	swait.ge [sflag:s23], $0x4000  }
0x116: {  	[sflag:s23] =	ssyncset.done $0x0  }
0x117: {  	[sflag:s23] =	ssyncadd.s32 $0xFFFFC000  }
0x118: {  	[bflag:$0x0] =	sbarrier.arrive $0xFFFF  }
0x119: {  	s7 =	stileid.u32;
	s8 =	rddreg [dreg:$0x5]  }
0x11a: {  	s5 =	sshll.u32 s7, $0x6;
	s9 =	rddreg [dreg:$0xa];
	s6 =	sshrl.u32 s8, $0x3  }
0x11b: {  	s20 =	sor.u32 $0x1C03, s5;
	[dreg:$0x15] =	wrdreg s6  }
0x11c: {  	[hbm:s9], [sflag:s20] =	dma.local [spmem:s6], $0x800  }
0x11d: {  	_ =	swait.ge [sflag:s23], $0x800  }
0x11e: {  	s7 =	rddreg [dreg:$0x6]  }
0x11f: {  	[sflag:s23] =	ssyncset.done $0x0;
	s9 =	rddreg [dreg:$0xb];
	s8 =	sshrl.u32 s7, $0x3  }
0x120: {  	[sflag:s23] =	ssyncadd.s32 $0xFFFFF800;
	[dreg:$0x16] =	wrdreg s8  }
0x121: {  	[hbm:s9], [sflag:s20] =	dma.local [spmem:s8], $0x800  }
0x122: {  	_ =	swait.ge [sflag:s23], $0x800  }
0x123: {  	s7 =	rddreg [dreg:$0x7]  }
0x124: {  	[sflag:s23] =	ssyncset.done $0x0;
	s9 =	rddreg [dreg:$0xc];
	s8 =	sshrl.u32 s7, $0x3  }
0x125: {  	[sflag:s23] =	ssyncadd.s32 $0xFFFFF800;
	[dreg:$0x17] =	wrdreg s8  }
0x126: {  	[hbm:s9], [sflag:s20] =	dma.local [spmem:s8], $0x800  }
0x127: {  	_ =	swait.ge [sflag:s23], $0x800  }
0x128: {  	s7 =	rddreg [dreg:$0x8]  }
0x129: {  	[sflag:s23] =	ssyncset.done $0x0;
	s9 =	rddreg [dreg:$0xd];
	s8 =	sshrl.u32 s7, $0x3  }
0x12a: {  	[sflag:s23] =	ssyncadd.s32 $0xFFFFF800;
	[dreg:$0x18] =	wrdreg s8  }
0x12b: {  	[hbm:s9], [sflag:s20] =	dma.local [spmem:s8], $0x800  }
0x12c: {  	_ =	swait.ge [sflag:s23], $0x800  }
0x12d: {  	[sflag:s23] =	ssyncset.done $0x0;
	s7 =	rddreg [dreg:$0x9]  }
0x12e: {  	s8 =	rddreg [dreg:$0xe];
	[sflag:s23] =	ssyncadd.s32 $0xFFFFF800;
	s9 =	sshrl.u32 s7, $0x3  }
0x12f: {  	[hbm:s8], [sflag:s20] =	dma.local [spmem:s9], $0x780  }
0x130: {  	_ =	swait.ge [sflag:s23], $0x780  }
0x131: {  	[sflag:s23] =	ssyncset.done $0x0  }
0x132: {  	[sflag:s23] =	ssyncadd.s32 $0xFFFFF880  }
0x133: {  	s5 =	simm.s32 $0x0;
	s6 =	simm.s32 $0x200;
	[bflag:$0x0] =	sbarrier.arrive $0xFFFF  }
.LBB2_6:
0x134: {  	p0 =	sne.s32 s6, $0xFE00;
	[tilespmem:s5+$0x870] =	vst v0  }
0x135: {  	[tilespmem:s5+$0x800] =	vst v0  }
0x136: {  	[tilespmem:s5+$0x810] =	vst v0  }
.Ltmp2:
0x137: {  	[tilespmem:s5+$0x820] =	vst v0;
	(pc) =	sbr.rel @p0 .LBB2_6-.Ltmp2, $4  }
0x138: {  	[tilespmem:s5+$0x830] =	vst v0  }
0x139: {  	[tilespmem:s5+$0x840] =	vst v0  }
0x13a: {  	[tilespmem:s5+$0x850] =	vst v0  }
0x13b: {  	[tilespmem:s5+$0x860] =	vst v0;
	s5 =	sshra.s32 s6, $0x2;
	s6 =	sadd.s32 $0x200, s6  }
0x13c: {  	[tilespmem:s5+$0x870] =	vst v0  }
0x13d: {  	[tilespmem:s5+$0x800] =	vst v0  }
0x13e: {  	[tilespmem:s5+$0x810] =	vst v0  }
0x13f: {  	[tilespmem:s5+$0x820] =	vst v0  }
0x140: {  	[tilespmem:s5+$0x830] =	vst v0  }
0x141: {  	[tilespmem:s5+$0x840] =	vst v0  }
0x142: {  	[tilespmem:s5+$0x850] =	vst v0  }
0x143: {  	[tilespmem:s5+$0x860] =	vst v0;
	s7 =	rddreg [dreg:$0x5]  }
0x144: {  	[spmem:s7] =	stream.linear.scatter [tilespmem:s22], [sflag:$0x3], $0x4000, $0x38;
	[tilespmem:$0x1C400] =	vst v63  }
0x145: {  	_ =	swait.ge [sflag:s23], $0x4000  }
0x146: {  	[sflag:s23] =	ssyncset.done $0x0  }
0x147: {  	s8 =	rddreg [dreg:$0x6];
	[sflag:s23] =	ssyncadd.s32 $0xFFFFC000  }
0x148: {  	[spmem:s8] =	stream.linear.scatter [tilespmem:s22], [sflag:$0x3], $0x4000, $0x38;
	[tilespmem:$0x1C400] =	vst v63  }
0x149: {  	_ =	swait.ge [sflag:s23], $0x4000  }
0x14a: {  	[sflag:s23] =	ssyncset.done $0x0  }
0x14b: {  	s6 =	rddreg [dreg:$0x7];
	[sflag:s23] =	ssyncadd.s32 $0xFFFFC000  }
0x14c: {  	[spmem:s6] =	stream.linear.scatter [tilespmem:s22], [sflag:$0x3], $0x4000, $0x38;
	[tilespmem:$0x1C400] =	vst v63  }
0x14d: {  	_ =	swait.ge [sflag:s23], $0x4000  }
0x14e: {  	[sflag:s23] =	ssyncset.done $0x0  }
0x14f: {  	s7 =	rddreg [dreg:$0x8];
	[sflag:s23] =	ssyncadd.s32 $0xFFFFC000  }
0x150: {  	[spmem:s7] =	stream.linear.scatter [tilespmem:s22], [sflag:$0x3], $0x4000, $0x38;
	[tilespmem:$0x1C400] =	vst v63  }
0x151: {  	_ =	swait.ge [sflag:s23], $0x4000  }
0x152: {  	[sflag:s23] =	ssyncset.done $0x0  }
0x153: {  	s8 =	rddreg [dreg:$0x9];
	[sflag:s23] =	ssyncadd.s32 $0xFFFFC000  }
0x154: {  	[spmem:s8] =	stream.linear.scatter [tilespmem:s22], [sflag:$0x3], $0x3C00, $0x38;
	[tilespmem:$0x1C400] =	vst v63  }
0x155: {  	_ =	swait.ge [sflag:s23], $0x3C00  }
0x156: {  	[sflag:s23] =	ssyncset.done $0x0  }
0x157: {  	s5 =	simm.s32 $0x0;
	s6 =	simm.s32 $0x200;
	[sflag:s23] =	ssyncadd.s32 $0xFFFFC400  }
.LBB2_8:
0x158: {  	p0 =	sne.s32 s6, $0xFE00;
	[tilespmem:s5+$0x870] =	vst v1  }
0x159: {  	[tilespmem:s5+$0x800] =	vst v1  }
0x15a: {  	[tilespmem:s5+$0x810] =	vst v1  }
.Ltmp3:
0x15b: {  	[tilespmem:s5+$0x820] =	vst v1;
	(pc) =	sbr.rel @p0 .LBB2_8-.Ltmp3, $4  }
0x15c: {  	[tilespmem:s5+$0x830] =	vst v1  }
0x15d: {  	[tilespmem:s5+$0x840] =	vst v1  }
0x15e: {  	[tilespmem:s5+$0x850] =	vst v1  }
0x15f: {  	[tilespmem:s5+$0x860] =	vst v1;
	s5 =	sshra.s32 s6, $0x2;
	s6 =	sadd.s32 $0x200, s6  }
0x160: {  	[tilespmem:s5+$0x870] =	vst v1  }
0x161: {  	[tilespmem:s5+$0x800] =	vst v1  }
0x162: {  	[tilespmem:s5+$0x810] =	vst v1  }
0x163: {  	[tilespmem:s5+$0x820] =	vst v1  }
0x164: {  	[tilespmem:s5+$0x830] =	vst v1  }
0x165: {  	[tilespmem:s5+$0x840] =	vst v1  }
0x166: {  	[tilespmem:s5+$0x850] =	vst v1  }
0x167: {  	[tilespmem:s5+$0x860] =	vst v1  }
0x168: {  	s8 =	sadd.s32 $0x0, s21;
	[bflag:$0x0] =	sbarrier.arrive $0xFFFF  }
0x169: {  	[tilespmem:s4], [sflag:$0x3] =	stream.linear.gather [hbm4b:s8+s4], $0x800, $0x38;
	[tilespmem:$0x1C400] =	vst v63  }
0x16a: {  	_ =	swait.ge [sflag:s23], $0x800  }
0x16b: {  	[sflag:s23] =	ssyncset.done $0x0  }
0x16c: {  	[sflag:s23] =	ssyncadd.s32 $0xFFFFF800  }
0x16d: {  	[spmem:s3] =	stream.indirect.scatter.add.f32 [tilespmem:s22], [sflag:$0x3], $0x80, s28, s24, $0xb8;
	[tilespmem:$0x1C400] =	vst v63  }
0x16e: {  	_ =	swait.ge [sflag:s23], $0x4000  }
0x16f: {  	[sflag:s23] =	ssyncset.done $0x0  }
0x170: {  	[sflag:s23] =	ssyncadd.s32 $0xFFFFC000  }
0x171: {  	[spmem:s3] =	stream.indirect.scatter.add.f32 [tilespmem:s22], [sflag:$0x3], $0x80, s31, s24, $0xb8;
	[tilespmem:$0x1C400] =	vst v63  }
0x172: {  	_ =	swait.ge [sflag:s23], $0x4000  }
0x173: {  	[sflag:s23] =	ssyncset.done $0x0  }
0x174: {  	[sflag:s23] =	ssyncadd.s32 $0xFFFFC000  }
0x175: {  	[spmem:s3] =	stream.indirect.scatter.add.f32 [tilespmem:s22], [sflag:$0x3], $0x80, s2, s24, $0xb8;
	[tilespmem:$0x1C400] =	vst v63  }
0x176: {  	_ =	swait.ge [sflag:s23], $0x4000  }
0x177: {  	[sflag:s23] =	ssyncset.done $0x0  }
0x178: {  	[sflag:s23] =	ssyncadd.s32 $0xFFFFC000  }
0x179: {  	[spmem:s3] =	stream.indirect.scatter.add.f32 [tilespmem:s22], [sflag:$0x3], $0x80, s11, s24, $0xb8;
	[tilespmem:$0x1C400] =	vst v63  }
0x17a: {  	_ =	swait.ge [sflag:s23], $0x4000  }
0x17b: {  	[sflag:s23] =	ssyncset.done $0x0  }
0x17c: {  	[sflag:s23] =	ssyncadd.s32 $0xFFFFC000  }
0x17d: {  	[spmem:s3] =	stream.indirect.scatter.add.f32 [tilespmem:s22], [sflag:$0x3], $0x80, s13, s24, $0xb8;
	[tilespmem:$0x1C400] =	vst v63  }
0x17e: {  	_ =	swait.ge [sflag:s23], $0x4000  }
0x17f: {  	[sflag:s23] =	ssyncset.done $0x0  }
0x180: {  	[sflag:s23] =	ssyncadd.s32 $0xFFFFC000  }
0x181: {  	[spmem:s3] =	stream.indirect.scatter.add.f32 [tilespmem:s22], [sflag:$0x3], $0x80, s15, s24, $0xb8;
	[tilespmem:$0x1C400] =	vst v63  }
0x182: {  	_ =	swait.ge [sflag:s23], $0x4000  }
0x183: {  	[sflag:s23] =	ssyncset.done $0x0  }
0x184: {  	[sflag:s23] =	ssyncadd.s32 $0xFFFFC000  }
0x185: {  	[spmem:s3] =	stream.indirect.scatter.add.f32 [tilespmem:s22], [sflag:$0x3], $0x80, s17, s24, $0xb8;
	[tilespmem:$0x1C400] =	vst v63  }
0x186: {  	_ =	swait.ge [sflag:s23], $0x4000  }
0x187: {  	[sflag:s23] =	ssyncset.done $0x0  }
0x188: {  	[sflag:s23] =	ssyncadd.s32 $0xFFFFC000  }
0x189: {  	[spmem:s3] =	stream.indirect.scatter.add.f32 [tilespmem:s22], [sflag:$0x3], $0x80, s18, s24, $0xb8;
	[tilespmem:$0x1C400] =	vst v63  }
0x18a: {  	_ =	swait.ge [sflag:s23], $0x4000  }
0x18b: {  	s5 =	simm.s32 $0x100;
	s6 =	simm.s32 $0x200;
	[sflag:s23] =	ssyncset.done $0x0  }
.LBB2_10:
0x18c: {  	s8 =	sadd.s32 s5, s21  }
0x18d: {  	[sflag:s23] =	ssyncadd.s32 $0xFFFFC000;
	s5 =	smov.u32 s6;
	s7 =	sadd.s32 $0x100, s6  }
0x18e: {  	[tilespmem:s4], [sflag:$0x3] =	stream.linear.gather [hbm4b:s8+s4], $0x800, $0x38;
	[tilespmem:$0x1C400] =	vst v63  }
0x18f: {  	p0 =	sne.s32 s6, $0x900;
	_ =	swait.ge [sflag:s23], $0x800  }
0x190: {  	[sflag:s23] =	ssyncset.done $0x0  }
0x191: {  	[sflag:s23] =	ssyncadd.s32 $0xFFFFF800  }
0x192: {  	[spmem:s3] =	stream.indirect.scatter.add.f32 [tilespmem:s22], [sflag:$0x3], $0x80, s28, s24, $0xb8;
	[tilespmem:$0x1C400] =	vst v63  }
0x193: {  	_ =	swait.ge [sflag:s23], $0x4000  }
0x194: {  	[sflag:s23] =	ssyncset.done $0x0  }
0x195: {  	[sflag:s23] =	ssyncadd.s32 $0xFFFFC000  }
0x196: {  	[spmem:s3] =	stream.indirect.scatter.add.f32 [tilespmem:s22], [sflag:$0x3], $0x80, s31, s24, $0xb8;
	[tilespmem:$0x1C400] =	vst v63  }
0x197: {  	_ =	swait.ge [sflag:s23], $0x4000  }
0x198: {  	[sflag:s23] =	ssyncset.done $0x0  }
0x199: {  	[sflag:s23] =	ssyncadd.s32 $0xFFFFC000  }
0x19a: {  	[spmem:s3] =	stream.indirect.scatter.add.f32 [tilespmem:s22], [sflag:$0x3], $0x80, s2, s24, $0xb8;
	[tilespmem:$0x1C400] =	vst v63  }
0x19b: {  	_ =	swait.ge [sflag:s23], $0x4000  }
0x19c: {  	[sflag:s23] =	ssyncset.done $0x0  }
0x19d: {  	[sflag:s23] =	ssyncadd.s32 $0xFFFFC000  }
0x19e: {  	[spmem:s3] =	stream.indirect.scatter.add.f32 [tilespmem:s22], [sflag:$0x3], $0x80, s11, s24, $0xb8;
	[tilespmem:$0x1C400] =	vst v63  }
0x19f: {  	_ =	swait.ge [sflag:s23], $0x4000  }
0x1a0: {  	[sflag:s23] =	ssyncset.done $0x0  }
0x1a1: {  	[sflag:s23] =	ssyncadd.s32 $0xFFFFC000  }
0x1a2: {  	[spmem:s3] =	stream.indirect.scatter.add.f32 [tilespmem:s22], [sflag:$0x3], $0x80, s13, s24, $0xb8;
	[tilespmem:$0x1C400] =	vst v63  }
0x1a3: {  	_ =	swait.ge [sflag:s23], $0x4000  }
0x1a4: {  	[sflag:s23] =	ssyncset.done $0x0  }
0x1a5: {  	[sflag:s23] =	ssyncadd.s32 $0xFFFFC000  }
0x1a6: {  	[spmem:s3] =	stream.indirect.scatter.add.f32 [tilespmem:s22], [sflag:$0x3], $0x80, s15, s24, $0xb8;
	[tilespmem:$0x1C400] =	vst v63  }
0x1a7: {  	_ =	swait.ge [sflag:s23], $0x4000  }
0x1a8: {  	[sflag:s23] =	ssyncset.done $0x0  }
0x1a9: {  	[sflag:s23] =	ssyncadd.s32 $0xFFFFC000  }
0x1aa: {  	[spmem:s3] =	stream.indirect.scatter.add.f32 [tilespmem:s22], [sflag:$0x3], $0x80, s17, s24, $0xb8;
	[tilespmem:$0x1C400] =	vst v63  }
0x1ab: {  	_ =	swait.ge [sflag:s23], $0x4000  }
.Ltmp4:
0x1ac: {  	[sflag:s23] =	ssyncset.done $0x0;
	(pc) =	sbr.rel @p0 .LBB2_10-.Ltmp4, $4  }
0x1ad: {  	[sflag:s23] =	ssyncadd.s32 $0xFFFFC000  }
0x1ae: {  	[spmem:s3] =	stream.indirect.scatter.add.f32 [tilespmem:s22], [sflag:$0x3], $0x80, s18, s24, $0xb8;
	[tilespmem:$0x1C400] =	vst v63  }
0x1af: {  	_ =	swait.ge [sflag:s23], $0x4000  }
0x1b0: {  	s6 =	smov.u32 s7;
	[sflag:s23] =	ssyncset.done $0x0  }
0x1b1: {  	s5 =	sadd.s32 s5, s21;
	[sflag:s23] =	ssyncadd.s32 $0xFFFFC000  }
0x1b2: {  	[tilespmem:s4], [sflag:$0x3] =	stream.linear.gather [hbm4b:s5+s4], $0x800, $0x38;
	[tilespmem:$0x1C400] =	vst v63  }
0x1b3: {  	_ =	swait.ge [sflag:s23], $0x800  }
0x1b4: {  	[sflag:s23] =	ssyncset.done $0x0  }
0x1b5: {  	[sflag:s23] =	ssyncadd.s32 $0xFFFFF800  }
0x1b6: {  	[spmem:s3] =	stream.indirect.scatter.add.f32 [tilespmem:s22], [sflag:$0x3], $0x80, s28, s24, $0xb8;
	[tilespmem:$0x1C400] =	vst v63  }
0x1b7: {  	_ =	swait.ge [sflag:s23], $0x4000  }
0x1b8: {  	[sflag:s23] =	ssyncset.done $0x0  }
0x1b9: {  	[sflag:s23] =	ssyncadd.s32 $0xFFFFC000  }
0x1ba: {  	[spmem:s3] =	stream.indirect.scatter.add.f32 [tilespmem:s22], [sflag:$0x3], $0x80, s31, s24, $0xb8;
	[tilespmem:$0x1C400] =	vst v63  }
0x1bb: {  	_ =	swait.ge [sflag:s23], $0x4000  }
0x1bc: {  	[sflag:s23] =	ssyncset.done $0x0  }
0x1bd: {  	[sflag:s23] =	ssyncadd.s32 $0xFFFFC000  }
0x1be: {  	[spmem:s3] =	stream.indirect.scatter.add.f32 [tilespmem:s22], [sflag:$0x3], $0x80, s2, s24, $0xb8;
	[tilespmem:$0x1C400] =	vst v63  }
0x1bf: {  	_ =	swait.ge [sflag:s23], $0x4000  }
0x1c0: {  	[sflag:s23] =	ssyncset.done $0x0  }
0x1c1: {  	[sflag:s23] =	ssyncadd.s32 $0xFFFFC000  }
0x1c2: {  	[spmem:s3] =	stream.indirect.scatter.add.f32 [tilespmem:s22], [sflag:$0x3], $0x80, s11, s24, $0xb8;
	[tilespmem:$0x1C400] =	vst v63  }
0x1c3: {  	_ =	swait.ge [sflag:s23], $0x4000  }
0x1c4: {  	[sflag:s23] =	ssyncset.done $0x0  }
0x1c5: {  	[sflag:s23] =	ssyncadd.s32 $0xFFFFC000  }
0x1c6: {  	[spmem:s3] =	stream.indirect.scatter.add.f32 [tilespmem:s22], [sflag:$0x3], $0x80, s13, s24, $0xb8;
	[tilespmem:$0x1C400] =	vst v63  }
0x1c7: {  	_ =	swait.ge [sflag:s23], $0x4000  }
0x1c8: {  	[sflag:s23] =	ssyncset.done $0x0  }
0x1c9: {  	[sflag:s23] =	ssyncadd.s32 $0xFFFFC000  }
0x1ca: {  	[spmem:s3] =	stream.indirect.scatter.add.f32 [tilespmem:s22], [sflag:$0x3], $0x80, s15, s24, $0xb8;
	[tilespmem:$0x1C400] =	vst v63  }
0x1cb: {  	_ =	swait.ge [sflag:s23], $0x4000  }
0x1cc: {  	[sflag:s23] =	ssyncset.done $0x0  }
0x1cd: {  	[sflag:s23] =	ssyncadd.s32 $0xFFFFC000  }
0x1ce: {  	[spmem:s3] =	stream.indirect.scatter.add.f32 [tilespmem:s22], [sflag:$0x3], $0x80, s17, s24, $0xb8;
	[tilespmem:$0x1C400] =	vst v63  }
0x1cf: {  	_ =	swait.ge [sflag:s23], $0x4000  }
0x1d0: {  	[sflag:s23] =	ssyncset.done $0x0  }
0x1d1: {  	[sflag:s23] =	ssyncadd.s32 $0xFFFFC000  }
0x1d2: {  	[spmem:s3] =	stream.indirect.scatter.add.f32 [tilespmem:s22], [sflag:$0x3], $0x80, s18, s24, $0xb8;
	[tilespmem:$0x1C400] =	vst v63  }
0x1d3: {  	_ =	swait.ge [sflag:s23], $0x4000  }
0x1d4: {  	[sflag:s23] =	ssyncset.done $0x0  }
0x1d5: {  	[sflag:s23] =	ssyncadd.s32 $0xFFFFC000  }
0x1d6: {  	[bflag:$0x0] =	sbarrier.arrive $0xFFFF  }
0x1d7: {  	s8 =	rddreg [dreg:$0xf]  }
0x1d8: {  	s6 =	rddreg [dreg:$0x15]  }
0x1d9: {  	[hbm:s8], [sflag:s20] =	dma.local [spmem:s6], $0x800  }
0x1da: {  	_ =	swait.ge [sflag:s23], $0x800  }
0x1db: {  	[sflag:s23] =	ssyncset.done $0x0;
	s7 =	rddreg [dreg:$0x10]  }
0x1dc: {  	s8 =	rddreg [dreg:$0x16];
	[sflag:s23] =	ssyncadd.s32 $0xFFFFF800  }
0x1dd: {  	[hbm:s7], [sflag:s20] =	dma.local [spmem:s8], $0x800  }
0x1de: {  	_ =	swait.ge [sflag:s23], $0x800  }
0x1df: {  	[sflag:s23] =	ssyncset.done $0x0;
	s7 =	rddreg [dreg:$0x11]  }
0x1e0: {  	s8 =	rddreg [dreg:$0x17];
	[sflag:s23] =	ssyncadd.s32 $0xFFFFF800  }
0x1e1: {  	[hbm:s7], [sflag:s20] =	dma.local [spmem:s8], $0x800  }
0x1e2: {  	_ =	swait.ge [sflag:s23], $0x800  }
0x1e3: {  	[sflag:s23] =	ssyncset.done $0x0;
	s6 =	rddreg [dreg:$0x12]  }
0x1e4: {  	s7 =	rddreg [dreg:$0x18];
	[sflag:s23] =	ssyncadd.s32 $0xFFFFF800  }
0x1e5: {  	[hbm:s6], [sflag:s20] =	dma.local [spmem:s7], $0x800  }
0x1e6: {  	_ =	swait.ge [sflag:s23], $0x800  }
0x1e7: {  	[sflag:s23] =	ssyncset.done $0x0  }
0x1e8: {  	s8 =	rddreg [dreg:$0x13];
	[sflag:s23] =	ssyncadd.s32 $0xFFFFF800  }
0x1e9: {  	[hbm:s8], [sflag:s20] =	dma.local [spmem:s9], $0x780  }
0x1ea: {  	_ =	swait.ge [sflag:s23], $0x780  }
0x1eb: {  	s19 =	sadd.s32 $0x1, s19;
	s20 =	rddreg [dreg:$0x14]  }
0x1ec: {  	p0 =	sne.s32 s19, s20  }
.Ltmp5:
0x1ed: {  	_ = 	snop;
	(pc) =	sbr.rel @p0 .LBB2_1-.Ltmp5, $3  }
0x1ee: {  	_ =	sdelay $0x1  }
0x1ef: {  	[sflag:s23] =	ssyncset.done $0x0  }
0x1f0: {  	[sflag:s23] =	ssyncadd.s32 $0xFFFFF880  }
0x1f1: {  	_ =	sfence.sel $0x180000  }
0x1f2: {  	[bflag:$0x0] =	sbarrier.arrive $0xFFFF  }
0x1f3: {  	_ =	strace $0x90000047  }
0x1f4: {  	s0 =	stileid.u32;
	[bflag:$0x2] =	sbarrier.arrive $0xFFFF  }
0x1f5: {  	p0 =	sne.s32 s0, $0x0;
	s0 =	rddreg [dreg:$0x4]  }
0x1f6: {  	s0 =	sadd.s32 @!p0 $0x100000, s0  }
0x1f7: {  	[sflag:s0] =	ssyncadd.tile.s32 @!p0 $0x1;
	_ =	shalt  }
.Lfunc_end2:
_tile_overlayer_lowered:
.L_overlay_start_2:
0x1f8: {  	(tag) =	ssettag $0x2  }
0x1f9: {  	s0 =	rddreg [dreg:$0x0];
	s2 =	stileid.u32  }
0x1fa: {  	s1 =	rddreg [dreg:$0x1];
	p0 =	sne.s32 s2, $0x0  }
0x1fb: {  	s3 =	rddreg [dreg:$0x2];
	[bflag:$0x3] =	sbarrier.arrive $0xFFFF;
	s2 =	simm.s32 @!p0 $0x1C03  }
0x1fc: {  	[timem:s3], [sflag:s2] =	dma.local @!p0 [hbm:s0], s1  }
0x1fd: {  	s0 =	simm.s32 @!p0 $0x3  }
0x1fe: {  	_ =	swait.ge @!p0 [sflag:s0], s1  }
0x1ff: {  	s1 =	ssub.s32 @!p0 $0x0, s1;
	[sflag:s0] =	ssyncset.done @!p0 $0x0  }
0x200: {  	[sflag:s0] =	ssyncadd.s32 @!p0 s1  }
0x201: {  	[bflag:$0x3] =	sbarrier.arrive $0xFFFF  }
0x202: {  	_ =	shalt  }

</sc_bundles>
